<compile_context>
chip_gen: v7x
topology: tpu7x:2x2x1
jax: 0.10.2.dev20260603
libtpu: 0.0.44.dev20260713+nightly
codegen_flags: <defaults>
</compile_context>

<pallas_src>
import functools

import jax
import jax.numpy as jnp
from jax import lax
from jax.experimental import pallas as pl
from jax.experimental.pallas import tpu as pltpu
from jax.experimental.pallas import tpu_sc as plsc

N = 5000
NUM_CLASSES = 80
TH = 0.5
L = 16
NS = 16
NC = 1
NW = NS * NC
GPT = -(-NUM_CLASSES // NW)
GPAD = 160
NBUF = N + GPAD
C2 = 400
CAP = C2 * L
NCP = 128
PAD = -1e30


def _nms_body(x1h, y1h, x2h, y2h, odh, sth, lnh, sgh, outh,
              x1v, y1v, x2v, y2v, arv, alv, odv, stv_, lnv, sgv, ov, sem):
    wid = lax.axis_index("s") * NC + lax.axis_index("c")

    pltpu.sync_copy(odh, odv)
    pltpu.sync_copy(sth, stv_)
    pltpu.sync_copy(lnh, lnv)
    pltpu.sync_copy(sgh, sgv)

    lanes = lax.iota(jnp.int32, L)

    def class_body(t, _):
        g = t * NW + wid
        s = stv_[pl.ds(g, L)][0]
        ln = lnv[pl.ds(g, L)][0]
        oc = sgv[pl.ds(g, L)][0]
        nc = (ln + L - 1) // L
        end = s + nc * L

        s8 = (s // 8) * 8
        npc = (s - s8 + nc * L + 127) // 128

        def gpiece(p, _):
            o = s8 + p * 128
            idx = odv.at[pl.ds(o, 128)]
            pltpu.async_copy(x1h.at[idx], x1v.at[pl.ds(o, 128)], sem).wait()
            pltpu.async_copy(y1h.at[idx], y1v.at[pl.ds(o, 128)], sem).wait()
            pltpu.async_copy(x2h.at[idx], x2v.at[pl.ds(o, 128)], sem).wait()
            pltpu.async_copy(y2h.at[idx], y2v.at[pl.ds(o, 128)], sem).wait()
            return 0

        lax.fori_loop(0, npc, gpiece, 0)

        def init_c(u, _):
            o = s + u * L
            w = jnp.maximum(x2v[pl.ds(o, L)] - x1v[pl.ds(o, L)], 0.0)
            h = jnp.maximum(y2v[pl.ds(o, L)] - y1v[pl.ds(o, L)], 0.0)
            a = w * h
            arv[pl.ds(o, L)] = a
            alv[pl.ds(o, L)] = jnp.where(
                jnp.logical_and(a > 0.0, lanes < ln - u * L), 1.0, 0.0)
            return 0

        lax.fori_loop(0, nc, init_c, 0)

        def chunk_body(u, _):
            oi = s + u * L
            x1c = x1v[pl.ds(oi, L)]
            y1c = y1v[pl.ds(oi, L)]
            x2c = x2v[pl.ds(oi, L)]
            y2c = y2v[pl.ds(oi, L)]
            arc = arv[pl.ds(oi, L)]

            def lane_body(li, _):
                gi = oi + li
                a_i = alv[pl.ds(gi, L)][0]

                @pl.when(a_i > 0.0)
                def _():
                    liv = jnp.full((L,), li, jnp.int32)

                    def tk(vec):
                        return vec.at[liv].get(mode="promise_in_bounds")

                    x1i = tk(x1c)
                    y1i = tk(y1c)
                    x2i = tk(x2c)
                    y2i = tk(y2c)
                    ari = tk(arc)

                    def sup_off(o, extra=None):
                        ix1 = jnp.maximum(x1v[pl.ds(o, L)], x1i)
                        iy1 = jnp.maximum(y1v[pl.ds(o, L)], y1i)
                        ix2 = jnp.minimum(x2v[pl.ds(o, L)], x2i)
                        iy2 = jnp.minimum(y2v[pl.ds(o, L)], y2i)
                        inter = (jnp.maximum(ix2 - ix1, 0.0)
                                 * jnp.maximum(iy2 - iy1, 0.0))
                        union = arv[pl.ds(o, L)] + ari - inter
                        sup = inter > union * TH
                        if extra is not None:
                            sup = jnp.logical_and(sup, extra)
                        alv[pl.ds(o, L)] = jnp.where(sup, 0.0,
                                                     alv[pl.ds(o, L)])

                    sup_off(oi, lanes > li)

                    @plsc.parallel_loop(oi + L, end, step=L, unroll=2)
                    def _tail(o):
                        sup_off(o)

                return 0

            lax.fori_loop(0, L, lane_body, 0)

            ov[...] = jnp.where(alv[pl.ds(oi, L)] > 0.0,
                                jnp.full((L,), 1, jnp.int32),
                                jnp.full((L,), 0, jnp.int32))
            pltpu.sync_copy(ov, outh.at[pl.ds((oc + u) * L, L)])
            return 0

        lax.fori_loop(0, nc, chunk_body, 0)
        return 0

    lax.fori_loop(0, GPT, class_body, 0)


_nms_sc = functools.partial(
    pl.kernel,
    out_type=jax.ShapeDtypeStruct((CAP,), jnp.int32),
    mesh=plsc.VectorSubcoreMesh(core_axis_name="c", subcore_axis_name="s",
                                num_cores=NC, num_subcores=NS),
    scratch_types=[
        pltpu.VMEM((NBUF,), jnp.float32),
        pltpu.VMEM((NBUF,), jnp.float32),
        pltpu.VMEM((NBUF,), jnp.float32),
        pltpu.VMEM((NBUF,), jnp.float32),
        pltpu.VMEM((NBUF + L,), jnp.float32),
        pltpu.VMEM((NBUF + L,), jnp.float32),
        pltpu.VMEM((NBUF,), jnp.int32),
        pltpu.VMEM((NCP,), jnp.int32),
        pltpu.VMEM((NCP,), jnp.int32),
        pltpu.VMEM((NCP,), jnp.int32),
        pltpu.VMEM((L,), jnp.int32),
        pltpu.SemaphoreType.DMA,
    ],
)(_nms_body)


def kernel(boxes, scores, class_ids):
    max_c = boxes.max()
    cls = class_ids.astype(jnp.int32)
    offs = class_ids.astype(boxes.dtype) * (max_c + 1.0)
    b = boxes + offs[:, None]
    order = jnp.argsort(-scores)
    cls_r = cls[order]
    perm = jnp.argsort(cls_r, stable=True)
    ord2 = order[perm]

    cnt = jnp.bincount(cls, length=NUM_CLASSES).astype(jnp.int32)
    nch = (cnt + L - 1) // L
    seg_c = jnp.concatenate([jnp.zeros((1,), jnp.int32),
                             jnp.cumsum(nch)[:-1].astype(jnp.int32)])
    unp_start = jnp.concatenate([jnp.zeros((1,), jnp.int32),
                                 jnp.cumsum(cnt)[:-1].astype(jnp.int32)])

    odp = jnp.concatenate([ord2, jnp.zeros((GPAD,), jnp.int32)])
    padi = jnp.zeros((NCP - NUM_CLASSES,), jnp.int32)
    stp = jnp.concatenate([unp_start, padi])
    lnp = jnp.concatenate([cnt, padi])
    sgp = jnp.concatenate([seg_c, padi])

    keep01 = _nms_sc(b[:, 0], b[:, 1], b[:, 2], b[:, 3], odp, stp, lnp, sgp)

    delta = seg_c * L - unp_start
    djump = delta - jnp.concatenate([jnp.zeros((1,), jnp.int32), delta[:-1]])
    pcs = jnp.cumsum(jnp.zeros((N,), jnp.int32).at[unp_start].add(djump))
    pp = pcs + jnp.arange(N, dtype=jnp.int32)
    kg = keep01[pp]
    vals = jnp.where(kg > 0, ord2, -1)
    return jnp.full((N,), -1, jnp.int32).at[perm].set(vals)

# --- scband reference (transcript-rebuilt; emitter-appended) ---
"""Pipeline reference for scband-fcos-53051436040647 (READ-ONLY COPY).

The authoritative reference and input builder live on the scoring server;
editing this copy changes nothing except your own understanding.
"""

import jax, jax.numpy as jnp
import numpy as np

N = 5000
NUM_CLASSES = 80
IOU_THRESHOLD = 0.5


def box_iou(b1, b2):
    area1 = jnp.clip(b1[:, 2] - b1[:, 0], 0) * jnp.clip(b1[:, 3] - b1[:, 1], 0)
    area2 = jnp.clip(b2[:, 2] - b2[:, 0], 0) * jnp.clip(b2[:, 3] - b2[:, 1], 0)
    inter_min = jnp.maximum(b1[:, None, :2], b2[None, :, :2])
    inter_max = jnp.minimum(b1[:, None, 2:], b2[None, :, 2:])
    wh = jnp.clip(inter_max - inter_min, 0)
    inter = wh[..., 0] * wh[..., 1]
    union = area1[:, None] + area2[None, :] - inter
    return inter / jnp.maximum(union, 1e-9)


def _nms_keep(boxes, scores, iou_threshold):
    # Greedy NMS equivalent to the torch while-loop, expressed as a
    # score-sorted sequential suppression over a precomputed IoU matrix.
    n = boxes.shape[0]
    order = jnp.argsort(-scores)
    boxes_sorted = boxes[order]
    iou = box_iou(boxes_sorted, boxes_sorted)
    idx = jnp.arange(n)

    def body(i, keep):
        suppress = (iou[i] > iou_threshold) & (idx > i) & keep[i]
        return keep & (~suppress)

    keep_mask = jax.lax.fori_loop(0, n, body, jnp.ones((n,), dtype=bool))
    return order, keep_mask


def setup_inputs(seed: int = 0) -> dict:
    key = jax.random.key(seed)
    k1, k2, k3 = jax.random.split(key, 3)
    raw = jax.random.uniform(k1, (N, 4), dtype=jnp.float32) * 512.0
    x1 = jnp.minimum(raw[:, 0], raw[:, 2])
    x2 = jnp.maximum(raw[:, 0], raw[:, 2]) + 1.0
    y1 = jnp.minimum(raw[:, 1], raw[:, 3])
    y2 = jnp.maximum(raw[:, 1], raw[:, 3]) + 1.0
    boxes = jnp.stack([x1, y1, x2, y2], axis=1)
    scores = jax.random.uniform(k2, (N,), dtype=jnp.float32)
    class_ids = jax.random.randint(k3, (N,), 0, NUM_CLASSES).astype(jnp.int64)
    return {"boxes": boxes, "scores": scores, "class_ids": class_ids}


def reference(boxes, scores, class_ids):
    # class_spec_nms: offset boxes by class id so different classes never overlap
    max_coordinate = boxes.max()
    offsets = class_ids.astype(boxes.dtype) * (max_coordinate + 1.0)
    boxes_for_nms = boxes + offsets[:, None]
    order, keep_mask = _nms_keep(boxes_for_nms, scores, IOU_THRESHOLD)
    # Fixed-size output: kept indices in descending score order, -1 for suppressed
    keep_idx = jnp.where(keep_mask, order, -1)
    return keep_idx

if __name__ == "__main__":
    import jax
    _d = setup_inputs()
    print(jax.jit(kernel)(*tuple(_d.values())))

</pallas_src>

<mosaic_0001>
#map = affine_map<(d0, d1) -> (0)>
module attributes {stable_mosaic.version = 14 : i64} {
  func.func @_nms_body(%arg0: i32, %arg1: i32, %arg2: memref<5000xf32, #tpu.memory_space<hbm>>, %arg3: memref<5000xf32, #tpu.memory_space<hbm>>, %arg4: memref<5000xf32, #tpu.memory_space<hbm>>, %arg5: memref<5000xf32, #tpu.memory_space<hbm>>, %arg6: memref<5160xi32, #tpu.memory_space<hbm>>, %arg7: memref<128xi32, #tpu.memory_space<hbm>>, %arg8: memref<128xi32, #tpu.memory_space<hbm>>, %arg9: memref<128xi32, #tpu.memory_space<hbm>>, %arg10: memref<6400xi32, #tpu.memory_space<hbm>>, %arg11: memref<5160xf32, #tpu.memory_space<vmem>>, %arg12: memref<5160xf32, #tpu.memory_space<vmem>>, %arg13: memref<5160xf32, #tpu.memory_space<vmem>>, %arg14: memref<5160xf32, #tpu.memory_space<vmem>>, %arg15: memref<5176xf32, #tpu.memory_space<vmem>>, %arg16: memref<5176xf32, #tpu.memory_space<vmem>>, %arg17: memref<5160xi32, #tpu.memory_space<vmem>>, %arg18: memref<128xi32, #tpu.memory_space<vmem>>, %arg19: memref<128xi32, #tpu.memory_space<vmem>>, %arg20: memref<128xi32, #tpu.memory_space<vmem>>, %arg21: memref<16xi32, #tpu.memory_space<vmem>>, %arg22: memref<!tpu.dma_semaphore, #tpu.memory_space<semaphore_mem>>) attributes {dimension_semantics = [#tpu.dimension_semantics<core_parallel>, #tpu.dimension_semantics<subcore_parallel>], iteration_bounds = array<i64: 1, 16>, scalar_prefetch = 0 : i64, scratch_operands = 12 : i64, tpu.core_type = #tpu.core_type<sc_vector_subcore>, window_params = [{transform_indices = #map}, {transform_indices = #map}, {transform_indices = #map}, {transform_indices = #map}, {transform_indices = #map}, {transform_indices = #map}, {transform_indices = #map}, {transform_indices = #map}, {transform_indices = #map}]} {
    %mul3A = arith.constant 1 : i32
    %mul3A_0 = arith.muli %arg1, %mul3A : i32
    %add3A = arith.addi %mul3A_0, %arg0 : i32
    "tpu.region"() ({
      %run_scoped3A = tpu.sem_alloc : memref<!tpu.dma_semaphore, #tpu.memory_space<semaphore_mem>>
      tpu.enqueue_dma source(%arg6 : memref<5160xi32, #tpu.memory_space<hbm>>) target(%arg17 : memref<5160xi32, #tpu.memory_space<vmem>>) target_semaphore(%run_scoped3A : memref<!tpu.dma_semaphore, #tpu.memory_space<semaphore_mem>>)
      tpu.wait_dma2 semaphore(%run_scoped3A : memref<!tpu.dma_semaphore, #tpu.memory_space<semaphore_mem>>) src(%arg6 : memref<5160xi32, #tpu.memory_space<hbm>>) dst(%arg17 : memref<5160xi32, #tpu.memory_space<vmem>>)
      tpu.yield
    }) : () -> ()
    "tpu.region"() ({
      %run_scoped3A = tpu.sem_alloc : memref<!tpu.dma_semaphore, #tpu.memory_space<semaphore_mem>>
      tpu.enqueue_dma source(%arg7 : memref<128xi32, #tpu.memory_space<hbm>>) target(%arg18 : memref<128xi32, #tpu.memory_space<vmem>>) target_semaphore(%run_scoped3A : memref<!tpu.dma_semaphore, #tpu.memory_space<semaphore_mem>>)
      tpu.wait_dma2 semaphore(%run_scoped3A : memref<!tpu.dma_semaphore, #tpu.memory_space<semaphore_mem>>) src(%arg7 : memref<128xi32, #tpu.memory_space<hbm>>) dst(%arg18 : memref<128xi32, #tpu.memory_space<vmem>>)
      tpu.yield
    }) : () -> ()
    "tpu.region"() ({
      %run_scoped3A = tpu.sem_alloc : memref<!tpu.dma_semaphore, #tpu.memory_space<semaphore_mem>>
      tpu.enqueue_dma source(%arg8 : memref<128xi32, #tpu.memory_space<hbm>>) target(%arg19 : memref<128xi32, #tpu.memory_space<vmem>>) target_semaphore(%run_scoped3A : memref<!tpu.dma_semaphore, #tpu.memory_space<semaphore_mem>>)
      tpu.wait_dma2 semaphore(%run_scoped3A : memref<!tpu.dma_semaphore, #tpu.memory_space<semaphore_mem>>) src(%arg8 : memref<128xi32, #tpu.memory_space<hbm>>) dst(%arg19 : memref<128xi32, #tpu.memory_space<vmem>>)
      tpu.yield
    }) : () -> ()
    "tpu.region"() ({
      %run_scoped3A = tpu.sem_alloc : memref<!tpu.dma_semaphore, #tpu.memory_space<semaphore_mem>>
      tpu.enqueue_dma source(%arg9 : memref<128xi32, #tpu.memory_space<hbm>>) target(%arg20 : memref<128xi32, #tpu.memory_space<vmem>>) target_semaphore(%run_scoped3A : memref<!tpu.dma_semaphore, #tpu.memory_space<semaphore_mem>>)
      tpu.wait_dma2 semaphore(%run_scoped3A : memref<!tpu.dma_semaphore, #tpu.memory_space<semaphore_mem>>) src(%arg9 : memref<128xi32, #tpu.memory_space<hbm>>) dst(%arg20 : memref<128xi32, #tpu.memory_space<vmem>>)
      tpu.yield
    }) : () -> ()
    %iota3A = tpu.iota {dimensions = array<i32: 0>} : vector<16xi32>
    %scan3A = arith.constant 0 : i32
    %scan3A_1 = arith.constant 0 : i32
    %scan3A_2 = arith.constant 5 : i32
    %scan3A_3 = arith.addi %scan3A_1, %scan3A_2 : i32
    %scan3A_4 = arith.constant 1 : i32
    %scan3A_5 = scf.for %scan3A_7 = %scan3A_1 to %scan3A_3 step %scan3A_4 iter_args(%scan3A_8 = %scan3A) -> (i32)  : i32 {
      %mul3A_9 = arith.constant 16 : i32
      %mul3A_10 = arith.muli %scan3A_7, %mul3A_9 : i32
      %add3A_11 = arith.addi %mul3A_10, %add3A : i32
      %get3A = arith.index_cast %add3A_11 : i32 to index
      %get3A_12 = tpu.vector_load %arg18[%get3A] {strides = array<i32>} : memref<128xi32, #tpu.memory_space<vmem>>, vector<16xi32>,
      %get3A_13 = vector.shape_cast %get3A_12 : vector<16xi32> to vector<16xi32>
      %slice3A = vector.extract_strided_slice %get3A_13 {offsets = [0], sizes = [1], strides = [1]} : vector<16xi32> to vector<1xi32>
      %squeeze3A = vector.extract %slice3A[0] : i32 from vector<1xi32>
      %get3A_14 = arith.index_cast %add3A_11 : i32 to index
      %get3A_15 = tpu.vector_load %arg19[%get3A_14] {strides = array<i32>} : memref<128xi32, #tpu.memory_space<vmem>>, vector<16xi32>,
      %get3A_16 = vector.shape_cast %get3A_15 : vector<16xi32> to vector<16xi32>
      %slice3A_17 = vector.extract_strided_slice %get3A_16 {offsets = [0], sizes = [1], strides = [1]} : vector<16xi32> to vector<1xi32>
      %squeeze3A_18 = vector.extract %slice3A_17[0] : i32 from vector<1xi32>
      %get3A_19 = arith.index_cast %add3A_11 : i32 to index
      %get3A_20 = tpu.vector_load %arg20[%get3A_19] {strides = array<i32>} : memref<128xi32, #tpu.memory_space<vmem>>, vector<16xi32>,
      %get3A_21 = vector.shape_cast %get3A_20 : vector<16xi32> to vector<16xi32>
      %slice3A_22 = vector.extract_strided_slice %get3A_21 {offsets = [0], sizes = [1], strides = [1]} : vector<16xi32> to vector<1xi32>
      %squeeze3A_23 = vector.extract %slice3A_22[0] : i32 from vector<1xi32>
      %add3A_24 = arith.constant 16 : i32
      %add3A_25 = arith.addi %squeeze3A_18, %add3A_24 : i32
      %sub3A = arith.constant 1 : i32
      %sub3A_26 = arith.subi %add3A_25, %sub3A : i32
      %jit3A = arith.constant 16 : i32
      %div3A = arith.divsi %sub3A_26, %jit3A : i32
      %sign3A = arith.constant 0 : i32
      %sign3A_27 = arith.cmpi sgt, %sub3A_26, %sign3A : i32
      %sign3A_28 = arith.extui %sign3A_27 : i1 to i32
      %sign3A_29 = arith.constant 0 : i32
      %sign3A_30 = arith.cmpi slt, %sub3A_26, %sign3A_29 : i32
      %sign3A_31 = arith.extui %sign3A_30 : i1 to i32
      %sign3A_32 = arith.subi %sign3A_28, %sign3A_31 : i32
      %sign3A_33 = arith.constant 0 : i32
      %sign3A_34 = arith.cmpi sgt, %jit3A, %sign3A_33 : i32
      %sign3A_35 = arith.extui %sign3A_34 : i1 to i32
      %sign3A_36 = arith.constant 0 : i32
      %sign3A_37 = arith.cmpi slt, %jit3A, %sign3A_36 : i32
      %sign3A_38 = arith.extui %sign3A_37 : i1 to i32
      %sign3A_39 = arith.subi %sign3A_35, %sign3A_38 : i32
      %ne3A = arith.cmpi ne, %sign3A_32, %sign3A_39 : i32
      %rem3A = arith.remsi %sub3A_26, %jit3A : i32
      %ne3A_40 = arith.constant 0 : i32
      %ne3A_41 = arith.cmpi ne, %rem3A, %ne3A_40 : i32
      %and3A = arith.andi %ne3A, %ne3A_41 : i1
      %sub3A_42 = arith.constant 1 : i32
      %sub3A_43 = arith.subi %div3A, %sub3A_42 : i32
      %select_n3A = arith.select %and3A, %sub3A_43, %div3A : i32
      %mul3A_44 = arith.constant 16 : i32
      %mul3A_45 = arith.muli %select_n3A, %mul3A_44 : i32
      %add3A_46 = arith.addi %squeeze3A, %mul3A_45 : i32
      %jit3A_47 = arith.constant 8 : i32
      %div3A_48 = arith.divsi %squeeze3A, %jit3A_47 : i32
      %sign3A_49 = arith.constant 0 : i32
      %sign3A_50 = arith.cmpi sgt, %squeeze3A, %sign3A_49 : i32
      %sign3A_51 = arith.extui %sign3A_50 : i1 to i32
      %sign3A_52 = arith.constant 0 : i32
      %sign3A_53 = arith.cmpi slt, %squeeze3A, %sign3A_52 : i32
      %sign3A_54 = arith.extui %sign3A_53 : i1 to i32
      %sign3A_55 = arith.subi %sign3A_51, %sign3A_54 : i32
      %sign3A_56 = arith.constant 0 : i32
      %sign3A_57 = arith.cmpi sgt, %jit3A_47, %sign3A_56 : i32
      %sign3A_58 = arith.extui %sign3A_57 : i1 to i32
      %sign3A_59 = arith.constant 0 : i32
      %sign3A_60 = arith.cmpi slt, %jit3A_47, %sign3A_59 : i32
      %sign3A_61 = arith.extui %sign3A_60 : i1 to i32
      %sign3A_62 = arith.subi %sign3A_58, %sign3A_61 : i32
      %ne3A_63 = arith.cmpi ne, %sign3A_55, %sign3A_62 : i32
      %rem3A_64 = arith.remsi %squeeze3A, %jit3A_47 : i32
      %ne3A_65 = arith.constant 0 : i32
      %ne3A_66 = arith.cmpi ne, %rem3A_64, %ne3A_65 : i32
      %and3A_67 = arith.andi %ne3A_63, %ne3A_66 : i1
      %sub3A_68 = arith.constant 1 : i32
      %sub3A_69 = arith.subi %div3A_48, %sub3A_68 : i32
      %select_n3A_70 = arith.select %and3A_67, %sub3A_69, %div3A_48 : i32
      %mul3A_71 = arith.constant 8 : i32
      %mul3A_72 = arith.muli %select_n3A_70, %mul3A_71 : i32
      %sub3A_73 = arith.subi %squeeze3A, %mul3A_72 : i32
      %mul3A_74 = arith.constant 16 : i32
      %mul3A_75 = arith.muli %select_n3A, %mul3A_74 : i32
      %add3A_76 = arith.addi %sub3A_73, %mul3A_75 : i32
      %add3A_77 = arith.constant 127 : i32
      %add3A_78 = arith.addi %add3A_76, %add3A_77 : i32
      %jit3A_79 = arith.constant 128 : i32
      %div3A_80 = arith.divsi %add3A_78, %jit3A_79 : i32
      %sign3A_81 = arith.constant 0 : i32
      %sign3A_82 = arith.cmpi sgt, %add3A_78, %sign3A_81 : i32
      %sign3A_83 = arith.extui %sign3A_82 : i1 to i32
      %sign3A_84 = arith.constant 0 : i32
      %sign3A_85 = arith.cmpi slt, %add3A_78, %sign3A_84 : i32
      %sign3A_86 = arith.extui %sign3A_85 : i1 to i32
      %sign3A_87 = arith.subi %sign3A_83, %sign3A_86 : i32
      %sign3A_88 = arith.constant 0 : i32
      %sign3A_89 = arith.cmpi sgt, %jit3A_79, %sign3A_88 : i32
      %sign3A_90 = arith.extui %sign3A_89 : i1 to i32
      %sign3A_91 = arith.constant 0 : i32
      %sign3A_92 = arith.cmpi slt, %jit3A_79, %sign3A_91 : i32
      %sign3A_93 = arith.extui %sign3A_92 : i1 to i32
      %sign3A_94 = arith.subi %sign3A_90, %sign3A_93 : i32
      %ne3A_95 = arith.cmpi ne, %sign3A_87, %sign3A_94 : i32
      %rem3A_96 = arith.remsi %add3A_78, %jit3A_79 : i32
      %ne3A_97 = arith.constant 0 : i32
      %ne3A_98 = arith.cmpi ne, %rem3A_96, %ne3A_97 : i32
      %and3A_99 = arith.andi %ne3A_95, %ne3A_98 : i1
      %sub3A_100 = arith.constant 1 : i32
      %sub3A_101 = arith.subi %div3A_80, %sub3A_100 : i32
      %select_n3A_102 = arith.select %and3A_99, %sub3A_101, %div3A_80 : i32
      %while3A = arith.constant 0 : i32
      %while3A_103 = arith.constant 0 : i32
      %while3A_104 = arith.subi %select_n3A_102, %while3A : i32
      %while3A_105 = arith.addi %while3A, %while3A_104 : i32
      %while3A_106 = arith.constant 1 : i32
      %while3A_107 = arith.divsi %while3A_104, %while3A_106 : i32
      %while3A_108 = arith.muli %while3A_107, %while3A_106 : i32
      %while3A_109 = arith.addi %while3A, %while3A_108 : i32
      %while3A_110 = arith.constant 1 : i32
      %while3A_111 = scf.for %while3A_139 = %while3A to %while3A_109 step %while3A_110 iter_args(%while3A_140 = %while3A_103) -> (i32)  : i32 {
        %mul3A_141 = arith.constant 128 : i32
        %mul3A_142 = arith.muli %while3A_139, %mul3A_141 : i32
        %add3A_143 = arith.addi %mul3A_72, %mul3A_142 : i32
        %dma_start3A = tpu.memref_slice %arg11[%add3A_143] : memref<5160xf32, #tpu.memory_space<vmem>> -> memref<128xf32, #tpu.memory_space<vmem>>
        %dma_start3A_144 = tpu.memref_slice %arg17[%add3A_143] : memref<5160xi32, #tpu.memory_space<vmem>> -> memref<128xi32, #tpu.memory_space<vmem>>
        %dma_start3A_145 = arith.constant 0 : i32
        %dma_start3A_146 = tpu.memref_slice %arg2[%dma_start3A_145] : memref<5000xf32, #tpu.memory_space<hbm>> -> memref<5000xf32, #tpu.memory_space<hbm>>
        tpu.enqueue_indirect_dma source(%dma_start3A_146 : memref<5000xf32, #tpu.memory_space<hbm>>) target(%dma_start3A : memref<128xf32, #tpu.memory_space<vmem>>) offsets(%dma_start3A_144 : memref<128xi32, #tpu.memory_space<vmem>>) semaphore(%arg22 : memref<!tpu.dma_semaphore, #tpu.memory_space<semaphore_mem>>)
        %dma_wait3A = tpu.memref_slice %arg11[%add3A_143] : memref<5160xf32, #tpu.memory_space<vmem>> -> memref<128xf32, #tpu.memory_space<vmem>>
        %dma_wait3A_147 = tpu.memref_slice %arg17[%add3A_143] : memref<5160xi32, #tpu.memory_space<vmem>> -> memref<128xi32, #tpu.memory_space<vmem>>
        %dma_wait3A_148 = arith.constant 0 : i32
        %dma_wait3A_149 = tpu.memref_slice %arg2[%dma_wait3A_148] : memref<5000xf32, #tpu.memory_space<hbm>> -> memref<5000xf32, #tpu.memory_space<hbm>>
        tpu.wait_indirect_dma semaphore(%arg22 : memref<!tpu.dma_semaphore, #tpu.memory_space<semaphore_mem>>) src(%dma_wait3A_149 : memref<5000xf32, #tpu.memory_space<hbm>>) dst(%dma_wait3A : memref<128xf32, #tpu.memory_space<vmem>>)
        %dma_start3A_150 = tpu.memref_slice %arg12[%add3A_143] : memref<5160xf32, #tpu.memory_space<vmem>> -> memref<128xf32, #tpu.memory_space<vmem>>
        %dma_start3A_151 = tpu.memref_slice %arg17[%add3A_143] : memref<5160xi32, #tpu.memory_space<vmem>> -> memref<128xi32, #tpu.memory_space<vmem>>
        %dma_start3A_152 = arith.constant 0 : i32
        %dma_start3A_153 = tpu.memref_slice %arg3[%dma_start3A_152] : memref<5000xf32, #tpu.memory_space<hbm>> -> memref<5000xf32, #tpu.memory_space<hbm>>
        tpu.enqueue_indirect_dma source(%dma_start3A_153 : memref<5000xf32, #tpu.memory_space<hbm>>) target(%dma_start3A_150 : memref<128xf32, #tpu.memory_space<vmem>>) offsets(%dma_start3A_151 : memref<128xi32, #tpu.memory_space<vmem>>) semaphore(%arg22 : memref<!tpu.dma_semaphore, #tpu.memory_space<semaphore_mem>>)
        %dma_wait3A_154 = tpu.memref_slice %arg12[%add3A_143] : memref<5160xf32, #tpu.memory_space<vmem>> -> memref<128xf32, #tpu.memory_space<vmem>>
        %dma_wait3A_155 = tpu.memref_slice %arg17[%add3A_143] : memref<5160xi32, #tpu.memory_space<vmem>> -> memref<128xi32, #tpu.memory_space<vmem>>
        %dma_wait3A_156 = arith.constant 0 : i32
        %dma_wait3A_157 = tpu.memref_slice %arg3[%dma_wait3A_156] : memref<5000xf32, #tpu.memory_space<hbm>> -> memref<5000xf32, #tpu.memory_space<hbm>>
        tpu.wait_indirect_dma semaphore(%arg22 : memref<!tpu.dma_semaphore, #tpu.memory_space<semaphore_mem>>) src(%dma_wait3A_157 : memref<5000xf32, #tpu.memory_space<hbm>>) dst(%dma_wait3A_154 : memref<128xf32, #tpu.memory_space<vmem>>)
        %dma_start3A_158 = tpu.memref_slice %arg13[%add3A_143] : memref<5160xf32, #tpu.memory_space<vmem>> -> memref<128xf32, #tpu.memory_space<vmem>>
        %dma_start3A_159 = tpu.memref_slice %arg17[%add3A_143] : memref<5160xi32, #tpu.memory_space<vmem>> -> memref<128xi32, #tpu.memory_space<vmem>>
        %dma_start3A_160 = arith.constant 0 : i32
        %dma_start3A_161 = tpu.memref_slice %arg4[%dma_start3A_160] : memref<5000xf32, #tpu.memory_space<hbm>> -> memref<5000xf32, #tpu.memory_space<hbm>>
        tpu.enqueue_indirect_dma source(%dma_start3A_161 : memref<5000xf32, #tpu.memory_space<hbm>>) target(%dma_start3A_158 : memref<128xf32, #tpu.memory_space<vmem>>) offsets(%dma_start3A_159 : memref<128xi32, #tpu.memory_space<vmem>>) semaphore(%arg22 : memref<!tpu.dma_semaphore, #tpu.memory_space<semaphore_mem>>)
        %dma_wait3A_162 = tpu.memref_slice %arg13[%add3A_143] : memref<5160xf32, #tpu.memory_space<vmem>> -> memref<128xf32, #tpu.memory_space<vmem>>
        %dma_wait3A_163 = tpu.memref_slice %arg17[%add3A_143] : memref<5160xi32, #tpu.memory_space<vmem>> -> memref<128xi32, #tpu.memory_space<vmem>>
        %dma_wait3A_164 = arith.constant 0 : i32
        %dma_wait3A_165 = tpu.memref_slice %arg4[%dma_wait3A_164] : memref<5000xf32, #tpu.memory_space<hbm>> -> memref<5000xf32, #tpu.memory_space<hbm>>
        tpu.wait_indirect_dma semaphore(%arg22 : memref<!tpu.dma_semaphore, #tpu.memory_space<semaphore_mem>>) src(%dma_wait3A_165 : memref<5000xf32, #tpu.memory_space<hbm>>) dst(%dma_wait3A_162 : memref<128xf32, #tpu.memory_space<vmem>>)
        %dma_start3A_166 = tpu.memref_slice %arg14[%add3A_143] : memref<5160xf32, #tpu.memory_space<vmem>> -> memref<128xf32, #tpu.memory_space<vmem>>
        %dma_start3A_167 = tpu.memref_slice %arg17[%add3A_143] : memref<5160xi32, #tpu.memory_space<vmem>> -> memref<128xi32, #tpu.memory_space<vmem>>
        %dma_start3A_168 = arith.constant 0 : i32
        %dma_start3A_169 = tpu.memref_slice %arg5[%dma_start3A_168] : memref<5000xf32, #tpu.memory_space<hbm>> -> memref<5000xf32, #tpu.memory_space<hbm>>
        tpu.enqueue_indirect_dma source(%dma_start3A_169 : memref<5000xf32, #tpu.memory_space<hbm>>) target(%dma_start3A_166 : memref<128xf32, #tpu.memory_space<vmem>>) offsets(%dma_start3A_167 : memref<128xi32, #tpu.memory_space<vmem>>) semaphore(%arg22 : memref<!tpu.dma_semaphore, #tpu.memory_space<semaphore_mem>>)
        %dma_wait3A_170 = tpu.memref_slice %arg14[%add3A_143] : memref<5160xf32, #tpu.memory_space<vmem>> -> memref<128xf32, #tpu.memory_space<vmem>>
        %dma_wait3A_171 = tpu.memref_slice %arg17[%add3A_143] : memref<5160xi32, #tpu.memory_space<vmem>> -> memref<128xi32, #tpu.memory_space<vmem>>
        %dma_wait3A_172 = arith.constant 0 : i32
        %dma_wait3A_173 = tpu.memref_slice %arg5[%dma_wait3A_172] : memref<5000xf32, #tpu.memory_space<hbm>> -> memref<5000xf32, #tpu.memory_space<hbm>>
        tpu.wait_indirect_dma semaphore(%arg22 : memref<!tpu.dma_semaphore, #tpu.memory_space<semaphore_mem>>) src(%dma_wait3A_173 : memref<5000xf32, #tpu.memory_space<hbm>>) dst(%dma_wait3A_170 : memref<128xf32, #tpu.memory_space<vmem>>)
        %while3A_174 = arith.constant 0 : i32
        scf.yield %while3A_174 : i32
      }
      %while3A_112 = arith.constant 1 : i32
      %while3A_113 = scf.for %while3A_139 = %while3A_109 to %while3A_105 step %while3A_112 iter_args(%while3A_140 = %while3A_111) -> (i32)  : i32 {
        %mul3A_141 = arith.constant 128 : i32
        %mul3A_142 = arith.muli %while3A_139, %mul3A_141 : i32
        %add3A_143 = arith.addi %mul3A_72, %mul3A_142 : i32
        %dma_start3A = tpu.memref_slice %arg11[%add3A_143] : memref<5160xf32, #tpu.memory_space<vmem>> -> memref<128xf32, #tpu.memory_space<vmem>>
        %dma_start3A_144 = tpu.memref_slice %arg17[%add3A_143] : memref<5160xi32, #tpu.memory_space<vmem>> -> memref<128xi32, #tpu.memory_space<vmem>>
        %dma_start3A_145 = arith.constant 0 : i32
        %dma_start3A_146 = tpu.memref_slice %arg2[%dma_start3A_145] : memref<5000xf32, #tpu.memory_space<hbm>> -> memref<5000xf32, #tpu.memory_space<hbm>>
        tpu.enqueue_indirect_dma source(%dma_start3A_146 : memref<5000xf32, #tpu.memory_space<hbm>>) target(%dma_start3A : memref<128xf32, #tpu.memory_space<vmem>>) offsets(%dma_start3A_144 : memref<128xi32, #tpu.memory_space<vmem>>) semaphore(%arg22 : memref<!tpu.dma_semaphore, #tpu.memory_space<semaphore_mem>>)
        %dma_wait3A = tpu.memref_slice %arg11[%add3A_143] : memref<5160xf32, #tpu.memory_space<vmem>> -> memref<128xf32, #tpu.memory_space<vmem>>
        %dma_wait3A_147 = tpu.memref_slice %arg17[%add3A_143] : memref<5160xi32, #tpu.memory_space<vmem>> -> memref<128xi32, #tpu.memory_space<vmem>>
        %dma_wait3A_148 = arith.constant 0 : i32
        %dma_wait3A_149 = tpu.memref_slice %arg2[%dma_wait3A_148] : memref<5000xf32, #tpu.memory_space<hbm>> -> memref<5000xf32, #tpu.memory_space<hbm>>
        tpu.wait_indirect_dma semaphore(%arg22 : memref<!tpu.dma_semaphore, #tpu.memory_space<semaphore_mem>>) src(%dma_wait3A_149 : memref<5000xf32, #tpu.memory_space<hbm>>) dst(%dma_wait3A : memref<128xf32, #tpu.memory_space<vmem>>)
        %dma_start3A_150 = tpu.memref_slice %arg12[%add3A_143] : memref<5160xf32, #tpu.memory_space<vmem>> -> memref<128xf32, #tpu.memory_space<vmem>>
        %dma_start3A_151 = tpu.memref_slice %arg17[%add3A_143] : memref<5160xi32, #tpu.memory_space<vmem>> -> memref<128xi32, #tpu.memory_space<vmem>>
        %dma_start3A_152 = arith.constant 0 : i32
        %dma_start3A_153 = tpu.memref_slice %arg3[%dma_start3A_152] : memref<5000xf32, #tpu.memory_space<hbm>> -> memref<5000xf32, #tpu.memory_space<hbm>>
        tpu.enqueue_indirect_dma source(%dma_start3A_153 : memref<5000xf32, #tpu.memory_space<hbm>>) target(%dma_start3A_150 : memref<128xf32, #tpu.memory_space<vmem>>) offsets(%dma_start3A_151 : memref<128xi32, #tpu.memory_space<vmem>>) semaphore(%arg22 : memref<!tpu.dma_semaphore, #tpu.memory_space<semaphore_mem>>)
        %dma_wait3A_154 = tpu.memref_slice %arg12[%add3A_143] : memref<5160xf32, #tpu.memory_space<vmem>> -> memref<128xf32, #tpu.memory_space<vmem>>
        %dma_wait3A_155 = tpu.memref_slice %arg17[%add3A_143] : memref<5160xi32, #tpu.memory_space<vmem>> -> memref<128xi32, #tpu.memory_space<vmem>>
        %dma_wait3A_156 = arith.constant 0 : i32
        %dma_wait3A_157 = tpu.memref_slice %arg3[%dma_wait3A_156] : memref<5000xf32, #tpu.memory_space<hbm>> -> memref<5000xf32, #tpu.memory_space<hbm>>
        tpu.wait_indirect_dma semaphore(%arg22 : memref<!tpu.dma_semaphore, #tpu.memory_space<semaphore_mem>>) src(%dma_wait3A_157 : memref<5000xf32, #tpu.memory_space<hbm>>) dst(%dma_wait3A_154 : memref<128xf32, #tpu.memory_space<vmem>>)
        %dma_start3A_158 = tpu.memref_slice %arg13[%add3A_143] : memref<5160xf32, #tpu.memory_space<vmem>> -> memref<128xf32, #tpu.memory_space<vmem>>
        %dma_start3A_159 = tpu.memref_slice %arg17[%add3A_143] : memref<5160xi32, #tpu.memory_space<vmem>> -> memref<128xi32, #tpu.memory_space<vmem>>
        %dma_start3A_160 = arith.constant 0 : i32
        %dma_start3A_161 = tpu.memref_slice %arg4[%dma_start3A_160] : memref<5000xf32, #tpu.memory_space<hbm>> -> memref<5000xf32, #tpu.memory_space<hbm>>
        tpu.enqueue_indirect_dma source(%dma_start3A_161 : memref<5000xf32, #tpu.memory_space<hbm>>) target(%dma_start3A_158 : memref<128xf32, #tpu.memory_space<vmem>>) offsets(%dma_start3A_159 : memref<128xi32, #tpu.memory_space<vmem>>) semaphore(%arg22 : memref<!tpu.dma_semaphore, #tpu.memory_space<semaphore_mem>>)
        %dma_wait3A_162 = tpu.memref_slice %arg13[%add3A_143] : memref<5160xf32, #tpu.memory_space<vmem>> -> memref<128xf32, #tpu.memory_space<vmem>>
        %dma_wait3A_163 = tpu.memref_slice %arg17[%add3A_143] : memref<5160xi32, #tpu.memory_space<vmem>> -> memref<128xi32, #tpu.memory_space<vmem>>
        %dma_wait3A_164 = arith.constant 0 : i32
        %dma_wait3A_165 = tpu.memref_slice %arg4[%dma_wait3A_164] : memref<5000xf32, #tpu.memory_space<hbm>> -> memref<5000xf32, #tpu.memory_space<hbm>>
        tpu.wait_indirect_dma semaphore(%arg22 : memref<!tpu.dma_semaphore, #tpu.memory_space<semaphore_mem>>) src(%dma_wait3A_165 : memref<5000xf32, #tpu.memory_space<hbm>>) dst(%dma_wait3A_162 : memref<128xf32, #tpu.memory_space<vmem>>)
        %dma_start3A_166 = tpu.memref_slice %arg14[%add3A_143] : memref<5160xf32, #tpu.memory_space<vmem>> -> memref<128xf32, #tpu.memory_space<vmem>>
        %dma_start3A_167 = tpu.memref_slice %arg17[%add3A_143] : memref<5160xi32, #tpu.memory_space<vmem>> -> memref<128xi32, #tpu.memory_space<vmem>>
        %dma_start3A_168 = arith.constant 0 : i32
        %dma_start3A_169 = tpu.memref_slice %arg5[%dma_start3A_168] : memref<5000xf32, #tpu.memory_space<hbm>> -> memref<5000xf32, #tpu.memory_space<hbm>>
        tpu.enqueue_indirect_dma source(%dma_start3A_169 : memref<5000xf32, #tpu.memory_space<hbm>>) target(%dma_start3A_166 : memref<128xf32, #tpu.memory_space<vmem>>) offsets(%dma_start3A_167 : memref<128xi32, #tpu.memory_space<vmem>>) semaphore(%arg22 : memref<!tpu.dma_semaphore, #tpu.memory_space<semaphore_mem>>)
        %dma_wait3A_170 = tpu.memref_slice %arg14[%add3A_143] : memref<5160xf32, #tpu.memory_space<vmem>> -> memref<128xf32, #tpu.memory_space<vmem>>
        %dma_wait3A_171 = tpu.memref_slice %arg17[%add3A_143] : memref<5160xi32, #tpu.memory_space<vmem>> -> memref<128xi32, #tpu.memory_space<vmem>>
        %dma_wait3A_172 = arith.constant 0 : i32
        %dma_wait3A_173 = tpu.memref_slice %arg5[%dma_wait3A_172] : memref<5000xf32, #tpu.memory_space<hbm>> -> memref<5000xf32, #tpu.memory_space<hbm>>
        tpu.wait_indirect_dma semaphore(%arg22 : memref<!tpu.dma_semaphore, #tpu.memory_space<semaphore_mem>>) src(%dma_wait3A_173 : memref<5000xf32, #tpu.memory_space<hbm>>) dst(%dma_wait3A_170 : memref<128xf32, #tpu.memory_space<vmem>>)
        %while3A_174 = arith.constant 0 : i32
        scf.yield %while3A_174 : i32
      }
      %while3A_114 = arith.constant 0 : i32
      %while3A_115 = arith.constant 0 : i32
      %while3A_116 = arith.subi %select_n3A, %while3A_114 : i32
      %while3A_117 = arith.addi %while3A_114, %while3A_116 : i32
      %while3A_118 = arith.constant 1 : i32
      %while3A_119 = arith.divsi %while3A_116, %while3A_118 : i32
      %while3A_120 = arith.muli %while3A_119, %while3A_118 : i32
      %while3A_121 = arith.addi %while3A_114, %while3A_120 : i32
      %while3A_122 = arith.constant 1 : i32
      %while3A_123 = scf.for %while3A_139 = %while3A_114 to %while3A_121 step %while3A_122 iter_args(%while3A_140 = %while3A_115) -> (i32)  : i32 {
        %mul3A_141 = arith.constant 16 : i32
        %mul3A_142 = arith.muli %while3A_139, %mul3A_141 : i32
        %add3A_143 = arith.addi %squeeze3A, %mul3A_142 : i32
        %get3A_144 = arith.index_cast %add3A_143 : i32 to index
        %get3A_145 = tpu.vector_load %arg13[%get3A_144] {strides = array<i32>} : memref<5160xf32, #tpu.memory_space<vmem>>, vector<16xf32>,
        %get3A_146 = vector.shape_cast %get3A_145 : vector<16xf32> to vector<16xf32>
        %get3A_147 = arith.index_cast %add3A_143 : i32 to index
        %get3A_148 = tpu.vector_load %arg11[%get3A_147] {strides = array<i32>} : memref<5160xf32, #tpu.memory_space<vmem>>, vector<16xf32>,
        %get3A_149 = vector.shape_cast %get3A_148 : vector<16xf32> to vector<16xf32>
        %sub3A_150 = arith.subf %get3A_146, %get3A_149 : vector<16xf32>
        %max3A = arith.constant 0.000000e+00 : f32
        %max3A_151 = vector.broadcast %max3A : f32 to vector<16xf32>
        %max3A_152 = arith.maximumf %sub3A_150, %max3A_151 : vector<16xf32>
        %get3A_153 = arith.index_cast %add3A_143 : i32 to index
        %get3A_154 = tpu.vector_load %arg14[%get3A_153] {strides = array<i32>} : memref<5160xf32, #tpu.memory_space<vmem>>, vector<16xf32>,
        %get3A_155 = vector.shape_cast %get3A_154 : vector<16xf32> to vector<16xf32>
        %get3A_156 = arith.index_cast %add3A_143 : i32 to index
        %get3A_157 = tpu.vector_load %arg12[%get3A_156] {strides = array<i32>} : memref<5160xf32, #tpu.memory_space<vmem>>, vector<16xf32>,
        %get3A_158 = vector.shape_cast %get3A_157 : vector<16xf32> to vector<16xf32>
        %sub3A_159 = arith.subf %get3A_155, %get3A_158 : vector<16xf32>
        %max3A_160 = arith.constant 0.000000e+00 : f32
        %max3A_161 = vector.broadcast %max3A_160 : f32 to vector<16xf32>
        %max3A_162 = arith.maximumf %sub3A_159, %max3A_161 : vector<16xf32>
        %mul3A_163 = arith.mulf %max3A_152, %max3A_162 : vector<16xf32>
        %swap3A = arith.index_cast %add3A_143 : i32 to index
        %swap3A_164 = tpu.vector_load %arg15[%swap3A] {strides = array<i32>} : memref<5176xf32, #tpu.memory_space<vmem>>, vector<16xf32>,
        %swap3A_165 = vector.shape_cast %swap3A_164 : vector<16xf32> to vector<16xf32>
        %swap3A_166 = vector.shape_cast %mul3A_163 : vector<16xf32> to vector<16xf32>
        tpu.vector_store %arg15[%swap3A], %swap3A_166 {strides = array<i32>} : memref<5176xf32, #tpu.memory_space<vmem>>, vector<16xf32>,
        %gt3A = arith.constant 0.000000e+00 : f32
        %gt3A_167 = vector.broadcast %gt3A : f32 to vector<16xf32>
        %gt3A_168 = arith.cmpf ogt, %mul3A_163, %gt3A_167 : vector<16xf32>
        %mul3A_169 = arith.constant 16 : i32
        %mul3A_170 = arith.muli %while3A_139, %mul3A_169 : i32
        %sub3A_171 = arith.subi %squeeze3A_18, %mul3A_170 : i32
        %lt3A = vector.broadcast %sub3A_171 : i32 to vector<16xi32>
        %lt3A_172 = arith.cmpi slt, %iota3A, %lt3A : vector<16xi32>
        %and3A_173 = arith.andi %gt3A_168, %lt3A_172 : vector<16xi1>
        %jit3A_174 = arith.constant 1.000000e+00 : f32
        %jit3A_175 = arith.constant 0.000000e+00 : f32
        %broadcast_in_dim3A = vector.broadcast %jit3A_174 : f32 to vector<16xf32>
        %broadcast_in_dim3A_176 = vector.broadcast %jit3A_175 : f32 to vector<16xf32>
        %select_n3A_177 = arith.select %and3A_173, %broadcast_in_dim3A, %broadcast_in_dim3A_176 : vector<16xi1>, vector<16xf32>
        %swap3A_178 = arith.index_cast %add3A_143 : i32 to index
        %swap3A_179 = tpu.vector_load %arg16[%swap3A_178] {strides = array<i32>} : memref<5176xf32, #tpu.memory_space<vmem>>, vector<16xf32>,
        %swap3A_180 = vector.shape_cast %swap3A_179 : vector<16xf32> to vector<16xf32>
        %swap3A_181 = vector.shape_cast %select_n3A_177 : vector<16xf32> to vector<16xf32>
        tpu.vector_store %arg16[%swap3A_178], %swap3A_181 {strides = array<i32>} : memref<5176xf32, #tpu.memory_space<vmem>>, vector<16xf32>,
        %while3A_182 = arith.constant 0 : i32
        scf.yield %while3A_182 : i32
      }
      %while3A_124 = arith.constant 1 : i32
      %while3A_125 = scf.for %while3A_139 = %while3A_121 to %while3A_117 step %while3A_124 iter_args(%while3A_140 = %while3A_123) -> (i32)  : i32 {
        %mul3A_141 = arith.constant 16 : i32
        %mul3A_142 = arith.muli %while3A_139, %mul3A_141 : i32
        %add3A_143 = arith.addi %squeeze3A, %mul3A_142 : i32
        %get3A_144 = arith.index_cast %add3A_143 : i32 to index
        %get3A_145 = tpu.vector_load %arg13[%get3A_144] {strides = array<i32>} : memref<5160xf32, #tpu.memory_space<vmem>>, vector<16xf32>,
        %get3A_146 = vector.shape_cast %get3A_145 : vector<16xf32> to vector<16xf32>
        %get3A_147 = arith.index_cast %add3A_143 : i32 to index
        %get3A_148 = tpu.vector_load %arg11[%get3A_147] {strides = array<i32>} : memref<5160xf32, #tpu.memory_space<vmem>>, vector<16xf32>,
        %get3A_149 = vector.shape_cast %get3A_148 : vector<16xf32> to vector<16xf32>
        %sub3A_150 = arith.subf %get3A_146, %get3A_149 : vector<16xf32>
        %max3A = arith.constant 0.000000e+00 : f32
        %max3A_151 = vector.broadcast %max3A : f32 to vector<16xf32>
        %max3A_152 = arith.maximumf %sub3A_150, %max3A_151 : vector<16xf32>
        %get3A_153 = arith.index_cast %add3A_143 : i32 to index
        %get3A_154 = tpu.vector_load %arg14[%get3A_153] {strides = array<i32>} : memref<5160xf32, #tpu.memory_space<vmem>>, vector<16xf32>,
        %get3A_155 = vector.shape_cast %get3A_154 : vector<16xf32> to vector<16xf32>
        %get3A_156 = arith.index_cast %add3A_143 : i32 to index
        %get3A_157 = tpu.vector_load %arg12[%get3A_156] {strides = array<i32>} : memref<5160xf32, #tpu.memory_space<vmem>>, vector<16xf32>,
        %get3A_158 = vector.shape_cast %get3A_157 : vector<16xf32> to vector<16xf32>
        %sub3A_159 = arith.subf %get3A_155, %get3A_158 : vector<16xf32>
        %max3A_160 = arith.constant 0.000000e+00 : f32
        %max3A_161 = vector.broadcast %max3A_160 : f32 to vector<16xf32>
        %max3A_162 = arith.maximumf %sub3A_159, %max3A_161 : vector<16xf32>
        %mul3A_163 = arith.mulf %max3A_152, %max3A_162 : vector<16xf32>
        %swap3A = arith.index_cast %add3A_143 : i32 to index
        %swap3A_164 = tpu.vector_load %arg15[%swap3A] {strides = array<i32>} : memref<5176xf32, #tpu.memory_space<vmem>>, vector<16xf32>,
        %swap3A_165 = vector.shape_cast %swap3A_164 : vector<16xf32> to vector<16xf32>
        %swap3A_166 = vector.shape_cast %mul3A_163 : vector<16xf32> to vector<16xf32>
        tpu.vector_store %arg15[%swap3A], %swap3A_166 {strides = array<i32>} : memref<5176xf32, #tpu.memory_space<vmem>>, vector<16xf32>,
        %gt3A = arith.constant 0.000000e+00 : f32
        %gt3A_167 = vector.broadcast %gt3A : f32 to vector<16xf32>
        %gt3A_168 = arith.cmpf ogt, %mul3A_163, %gt3A_167 : vector<16xf32>
        %mul3A_169 = arith.constant 16 : i32
        %mul3A_170 = arith.muli %while3A_139, %mul3A_169 : i32
        %sub3A_171 = arith.subi %squeeze3A_18, %mul3A_170 : i32
        %lt3A = vector.broadcast %sub3A_171 : i32 to vector<16xi32>
        %lt3A_172 = arith.cmpi slt, %iota3A, %lt3A : vector<16xi32>
        %and3A_173 = arith.andi %gt3A_168, %lt3A_172 : vector<16xi1>
        %jit3A_174 = arith.constant 1.000000e+00 : f32
        %jit3A_175 = arith.constant 0.000000e+00 : f32
        %broadcast_in_dim3A = vector.broadcast %jit3A_174 : f32 to vector<16xf32>
        %broadcast_in_dim3A_176 = vector.broadcast %jit3A_175 : f32 to vector<16xf32>
        %select_n3A_177 = arith.select %and3A_173, %broadcast_in_dim3A, %broadcast_in_dim3A_176 : vector<16xi1>, vector<16xf32>
        %swap3A_178 = arith.index_cast %add3A_143 : i32 to index
        %swap3A_179 = tpu.vector_load %arg16[%swap3A_178] {strides = array<i32>} : memref<5176xf32, #tpu.memory_space<vmem>>, vector<16xf32>,
        %swap3A_180 = vector.shape_cast %swap3A_179 : vector<16xf32> to vector<16xf32>
        %swap3A_181 = vector.shape_cast %select_n3A_177 : vector<16xf32> to vector<16xf32>
        tpu.vector_store %arg16[%swap3A_178], %swap3A_181 {strides = array<i32>} : memref<5176xf32, #tpu.memory_space<vmem>>, vector<16xf32>,
        %while3A_182 = arith.constant 0 : i32
        scf.yield %while3A_182 : i32
      }
      %while3A_126 = arith.constant 0 : i32
      %while3A_127 = arith.constant 0 : i32
      %while3A_128 = arith.subi %select_n3A, %while3A_126 : i32
      %while3A_129 = arith.addi %while3A_126, %while3A_128 : i32
      %while3A_130 = arith.constant 1 : i32
      %while3A_131 = arith.divsi %while3A_128, %while3A_130 : i32
      %while3A_132 = arith.muli %while3A_131, %while3A_130 : i32
      %while3A_133 = arith.addi %while3A_126, %while3A_132 : i32
      %while3A_134 = arith.constant 1 : i32
      %while3A_135 = scf.for %while3A_139 = %while3A_126 to %while3A_133 step %while3A_134 iter_args(%while3A_140 = %while3A_127) -> (i32)  : i32 {
        %mul3A_141 = arith.constant 16 : i32
        %mul3A_142 = arith.muli %while3A_139, %mul3A_141 : i32
        %add3A_143 = arith.addi %squeeze3A, %mul3A_142 : i32
        %get3A_144 = arith.index_cast %add3A_143 : i32 to index
        %get3A_145 = tpu.vector_load %arg11[%get3A_144] {strides = array<i32>} : memref<5160xf32, #tpu.memory_space<vmem>>, vector<16xf32>,
        %get3A_146 = vector.shape_cast %get3A_145 : vector<16xf32> to vector<16xf32>
        %get3A_147 = arith.index_cast %add3A_143 : i32 to index
        %get3A_148 = tpu.vector_load %arg12[%get3A_147] {strides = array<i32>} : memref<5160xf32, #tpu.memory_space<vmem>>, vector<16xf32>,
        %get3A_149 = vector.shape_cast %get3A_148 : vector<16xf32> to vector<16xf32>
        %get3A_150 = arith.index_cast %add3A_143 : i32 to index
        %get3A_151 = tpu.vector_load %arg13[%get3A_150] {strides = array<i32>} : memref<5160xf32, #tpu.memory_space<vmem>>, vector<16xf32>,
        %get3A_152 = vector.shape_cast %get3A_151 : vector<16xf32> to vector<16xf32>
        %get3A_153 = arith.index_cast %add3A_143 : i32 to index
        %get3A_154 = tpu.vector_load %arg14[%get3A_153] {strides = array<i32>} : memref<5160xf32, #tpu.memory_space<vmem>>, vector<16xf32>,
        %get3A_155 = vector.shape_cast %get3A_154 : vector<16xf32> to vector<16xf32>
        %get3A_156 = arith.index_cast %add3A_143 : i32 to index
        %get3A_157 = tpu.vector_load %arg15[%get3A_156] {strides = array<i32>} : memref<5176xf32, #tpu.memory_space<vmem>>, vector<16xf32>,
        %get3A_158 = vector.shape_cast %get3A_157 : vector<16xf32> to vector<16xf32>
        %scan3A_159 = arith.constant 0 : i32
        %scan3A_160 = arith.constant 0 : i32
        %scan3A_161 = arith.constant 16 : i32
        %scan3A_162 = arith.addi %scan3A_160, %scan3A_161 : i32
        %scan3A_163 = arith.constant 1 : i32
        %scan3A_164 = scf.for %scan3A_182 = %scan3A_160 to %scan3A_162 step %scan3A_163 iter_args(%scan3A_183 = %scan3A_159) -> (i32)  : i32 {
          %add3A_184 = arith.addi %add3A_143, %scan3A_182 : i32
          %get3A_185 = arith.index_cast %add3A_184 : i32 to index
          %get3A_186 = tpu.vector_load %arg16[%get3A_185] {strides = array<i32>} : memref<5176xf32, #tpu.memory_space<vmem>>, vector<16xf32>,
          %get3A_187 = vector.shape_cast %get3A_186 : vector<16xf32> to vector<16xf32>
          %slice3A_188 = vector.extract_strided_slice %get3A_187 {offsets = [0], sizes = [1], strides = [1]} : vector<16xf32> to vector<1xf32>
          %squeeze3A_189 = vector.extract %slice3A_188[0] : f32 from vector<1xf32>
          %gt3A_190 = arith.constant 0.000000e+00 : f32
          %gt3A_191 = arith.cmpf ogt, %squeeze3A_189, %gt3A_190 : f32
          %convert_element_type3A = arith.extui %gt3A_191 : i1 to i32
          %cond3A = arith.constant 0 : i32
          %cond3A_192 = arith.cmpi ne, %convert_element_type3A, %cond3A : i32
          scf.if %cond3A_192 {
            %broadcast_in_dim3A_194 = vector.broadcast %scan3A_182 : i32 to vector<16xi32>
            %lt3A = arith.constant 0 : i32
            %lt3A_195 = vector.broadcast %lt3A : i32 to vector<16xi32>
            %lt3A_196 = arith.cmpi slt, %broadcast_in_dim3A_194, %lt3A_195 : vector<16xi32>
            %add3A_197 = arith.constant 16 : i32
            %add3A_198 = vector.broadcast %add3A_197 : i32 to vector<16xi32>
            %add3A_199 = arith.addi %broadcast_in_dim3A_194, %add3A_198 : vector<16xi32>
            %select_n3A_200 = arith.select %lt3A_196, %add3A_199, %broadcast_in_dim3A_194 : vector<16xi1>, vector<16xi32>
            %broadcast_in_dim3A_201 = vector.shape_cast %select_n3A_200 : vector<16xi32> to vector<16x1xi32>
            %gather3A = vector.shape_cast %broadcast_in_dim3A_201 : vector<16x1xi32> to vector<16xi32>
            %gather3A_202 = tpu.dynamic_gather %get3A_146[%gather3A] in [0] : vector<16xf32>, vector<16xi32> -> vector<16xf32>
            %lt3A_203 = arith.constant 0 : i32
            %lt3A_204 = vector.broadcast %lt3A_203 : i32 to vector<16xi32>
            %lt3A_205 = arith.cmpi slt, %broadcast_in_dim3A_194, %lt3A_204 : vector<16xi32>
            %add3A_206 = arith.constant 16 : i32
            %add3A_207 = vector.broadcast %add3A_206 : i32 to vector<16xi32>
            %add3A_208 = arith.addi %broadcast_in_dim3A_194, %add3A_207 : vector<16xi32>
            %select_n3A_209 = arith.select %lt3A_205, %add3A_208, %broadcast_in_dim3A_194 : vector<16xi1>, vector<16xi32>
            %broadcast_in_dim3A_210 = vector.shape_cast %select_n3A_209 : vector<16xi32> to vector<16x1xi32>
            %gather3A_211 = vector.shape_cast %broadcast_in_dim3A_210 : vector<16x1xi32> to vector<16xi32>
            %gather3A_212 = tpu.dynamic_gather %get3A_149[%gather3A_211] in [0] : vector<16xf32>, vector<16xi32> -> vector<16xf32>
            %lt3A_213 = arith.constant 0 : i32
            %lt3A_214 = vector.broadcast %lt3A_213 : i32 to vector<16xi32>
            %lt3A_215 = arith.cmpi slt, %broadcast_in_dim3A_194, %lt3A_214 : vector<16xi32>
            %add3A_216 = arith.constant 16 : i32
            %add3A_217 = vector.broadcast %add3A_216 : i32 to vector<16xi32>
            %add3A_218 = arith.addi %broadcast_in_dim3A_194, %add3A_217 : vector<16xi32>
            %select_n3A_219 = arith.select %lt3A_215, %add3A_218, %broadcast_in_dim3A_194 : vector<16xi1>, vector<16xi32>
            %broadcast_in_dim3A_220 = vector.shape_cast %select_n3A_219 : vector<16xi32> to vector<16x1xi32>
            %gather3A_221 = vector.shape_cast %broadcast_in_dim3A_220 : vector<16x1xi32> to vector<16xi32>
            %gather3A_222 = tpu.dynamic_gather %get3A_152[%gather3A_221] in [0] : vector<16xf32>, vector<16xi32> -> vector<16xf32>
            %lt3A_223 = arith.constant 0 : i32
            %lt3A_224 = vector.broadcast %lt3A_223 : i32 to vector<16xi32>
            %lt3A_225 = arith.cmpi slt, %broadcast_in_dim3A_194, %lt3A_224 : vector<16xi32>
            %add3A_226 = arith.constant 16 : i32
            %add3A_227 = vector.broadcast %add3A_226 : i32 to vector<16xi32>
            %add3A_228 = arith.addi %broadcast_in_dim3A_194, %add3A_227 : vector<16xi32>
            %select_n3A_229 = arith.select %lt3A_225, %add3A_228, %broadcast_in_dim3A_194 : vector<16xi1>, vector<16xi32>
            %broadcast_in_dim3A_230 = vector.shape_cast %select_n3A_229 : vector<16xi32> to vector<16x1xi32>
            %gather3A_231 = vector.shape_cast %broadcast_in_dim3A_230 : vector<16x1xi32> to vector<16xi32>
            %gather3A_232 = tpu.dynamic_gather %get3A_155[%gather3A_231] in [0] : vector<16xf32>, vector<16xi32> -> vector<16xf32>
            %lt3A_233 = arith.constant 0 : i32
            %lt3A_234 = vector.broadcast %lt3A_233 : i32 to vector<16xi32>
            %lt3A_235 = arith.cmpi slt, %broadcast_in_dim3A_194, %lt3A_234 : vector<16xi32>
            %add3A_236 = arith.constant 16 : i32
            %add3A_237 = vector.broadcast %add3A_236 : i32 to vector<16xi32>
            %add3A_238 = arith.addi %broadcast_in_dim3A_194, %add3A_237 : vector<16xi32>
            %select_n3A_239 = arith.select %lt3A_235, %add3A_238, %broadcast_in_dim3A_194 : vector<16xi1>, vector<16xi32>
            %broadcast_in_dim3A_240 = vector.shape_cast %select_n3A_239 : vector<16xi32> to vector<16x1xi32>
            %gather3A_241 = vector.shape_cast %broadcast_in_dim3A_240 : vector<16x1xi32> to vector<16xi32>
            %gather3A_242 = tpu.dynamic_gather %get3A_158[%gather3A_241] in [0] : vector<16xf32>, vector<16xi32> -> vector<16xf32>
            %gt3A_243 = vector.broadcast %scan3A_182 : i32 to vector<16xi32>
            %gt3A_244 = arith.cmpi sgt, %iota3A, %gt3A_243 : vector<16xi32>
            %get3A_245 = arith.index_cast %add3A_143 : i32 to index
            %get3A_246 = tpu.vector_load %arg11[%get3A_245] {strides = array<i32>} : memref<5160xf32, #tpu.memory_space<vmem>>, vector<16xf32>,
            %get3A_247 = vector.shape_cast %get3A_246 : vector<16xf32> to vector<16xf32>
            %max3A = arith.maximumf %get3A_247, %gather3A_202 : vector<16xf32>
            %get3A_248 = arith.index_cast %add3A_143 : i32 to index
            %get3A_249 = tpu.vector_load %arg12[%get3A_248] {strides = array<i32>} : memref<5160xf32, #tpu.memory_space<vmem>>, vector<16xf32>,
            %get3A_250 = vector.shape_cast %get3A_249 : vector<16xf32> to vector<16xf32>
            %max3A_251 = arith.maximumf %get3A_250, %gather3A_212 : vector<16xf32>
            %get3A_252 = arith.index_cast %add3A_143 : i32 to index
            %get3A_253 = tpu.vector_load %arg13[%get3A_252] {strides = array<i32>} : memref<5160xf32, #tpu.memory_space<vmem>>, vector<16xf32>,
            %get3A_254 = vector.shape_cast %get3A_253 : vector<16xf32> to vector<16xf32>
            %min3A = arith.minimumf %get3A_254, %gather3A_222 : vector<16xf32>
            %get3A_255 = arith.index_cast %add3A_143 : i32 to index
            %get3A_256 = tpu.vector_load %arg14[%get3A_255] {strides = array<i32>} : memref<5160xf32, #tpu.memory_space<vmem>>, vector<16xf32>,
            %get3A_257 = vector.shape_cast %get3A_256 : vector<16xf32> to vector<16xf32>
            %min3A_258 = arith.minimumf %get3A_257, %gather3A_232 : vector<16xf32>
            %sub3A_259 = arith.subf %min3A, %max3A : vector<16xf32>
            %max3A_260 = arith.constant 0.000000e+00 : f32
            %max3A_261 = vector.broadcast %max3A_260 : f32 to vector<16xf32>
            %max3A_262 = arith.maximumf %sub3A_259, %max3A_261 : vector<16xf32>
            %sub3A_263 = arith.subf %min3A_258, %max3A_251 : vector<16xf32>
            %max3A_264 = arith.constant 0.000000e+00 : f32
            %max3A_265 = vector.broadcast %max3A_264 : f32 to vector<16xf32>
            %max3A_266 = arith.maximumf %sub3A_263, %max3A_265 : vector<16xf32>
            %mul3A_267 = arith.mulf %max3A_262, %max3A_266 : vector<16xf32>
            %get3A_268 = arith.index_cast %add3A_143 : i32 to index
            %get3A_269 = tpu.vector_load %arg15[%get3A_268] {strides = array<i32>} : memref<5176xf32, #tpu.memory_space<vmem>>, vector<16xf32>,
            %get3A_270 = vector.shape_cast %get3A_269 : vector<16xf32> to vector<16xf32>
            %add3A_271 = arith.addf %get3A_270, %gather3A_242 : vector<16xf32>
            %sub3A_272 = arith.subf %add3A_271, %mul3A_267 : vector<16xf32>
            %mul3A_273 = arith.constant 5.000000e-01 : f32
            %mul3A_274 = vector.broadcast %mul3A_273 : f32 to vector<16xf32>
            %mul3A_275 = arith.mulf %sub3A_272, %mul3A_274 : vector<16xf32>
            %gt3A_276 = arith.cmpf ogt, %mul3A_267, %mul3A_275 : vector<16xf32>
            %and3A_277 = arith.andi %gt3A_276, %gt3A_244 : vector<16xi1>
            %get3A_278 = arith.index_cast %add3A_143 : i32 to index
            %get3A_279 = tpu.vector_load %arg16[%get3A_278] {strides = array<i32>} : memref<5176xf32, #tpu.memory_space<vmem>>, vector<16xf32>,
            %get3A_280 = vector.shape_cast %get3A_279 : vector<16xf32> to vector<16xf32>
            %jit3A_281 = arith.constant 0.000000e+00 : f32
            %broadcast_in_dim3A_282 = vector.broadcast %jit3A_281 : f32 to vector<16xf32>
            %select_n3A_283 = arith.select %and3A_277, %broadcast_in_dim3A_282, %get3A_280 : vector<16xi1>, vector<16xf32>
            %swap3A_284 = arith.index_cast %add3A_143 : i32 to index
            %swap3A_285 = tpu.vector_load %arg16[%swap3A_284] {strides = array<i32>} : memref<5176xf32, #tpu.memory_space<vmem>>, vector<16xf32>,
            %swap3A_286 = vector.shape_cast %swap3A_285 : vector<16xf32> to vector<16xf32>
            %swap3A_287 = vector.shape_cast %select_n3A_283 : vector<16xf32> to vector<16xf32>
            tpu.vector_store %arg16[%swap3A_284], %swap3A_287 {strides = array<i32>} : memref<5176xf32, #tpu.memory_space<vmem>>, vector<16xf32>,
            %add3A_288 = arith.constant 16 : i32
            %add3A_289 = arith.addi %add3A_143, %add3A_288 : i32
            %parallel_loop3A = arith.constant 16 : i32
            scf.for %parallel_loop3A_290 = %add3A_289 to %add3A_46 step %parallel_loop3A  : i32 {
              %parallel_loop3A_291 = arith.index_cast %parallel_loop3A_290 : i32 to index
              %parallel_loop3A_292 = tpu.vector_load %arg11[%parallel_loop3A_291] {strides = array<i32>} : memref<5160xf32, #tpu.memory_space<vmem>>, vector<16xf32>,
              %parallel_loop3A_293 = vector.shape_cast %parallel_loop3A_292 : vector<16xf32> to vector<16xf32>
              %parallel_loop3A_294 = arith.maximumf %parallel_loop3A_293, %gather3A_202 : vector<16xf32>
              %parallel_loop3A_295 = arith.index_cast %parallel_loop3A_290 : i32 to index
              %parallel_loop3A_296 = tpu.vector_load %arg12[%parallel_loop3A_295] {strides = array<i32>} : memref<5160xf32, #tpu.memory_space<vmem>>, vector<16xf32>,
              %parallel_loop3A_297 = vector.shape_cast %parallel_loop3A_296 : vector<16xf32> to vector<16xf32>
              %parallel_loop3A_298 = arith.maximumf %parallel_loop3A_297, %gather3A_212 : vector<16xf32>
              %parallel_loop3A_299 = arith.index_cast %parallel_loop3A_290 : i32 to index
              %parallel_loop3A_300 = tpu.vector_load %arg13[%parallel_loop3A_299] {strides = array<i32>} : memref<5160xf32, #tpu.memory_space<vmem>>, vector<16xf32>,
              %parallel_loop3A_301 = vector.shape_cast %parallel_loop3A_300 : vector<16xf32> to vector<16xf32>
              %parallel_loop3A_302 = arith.minimumf %parallel_loop3A_301, %gather3A_222 : vector<16xf32>
              %parallel_loop3A_303 = arith.index_cast %parallel_loop3A_290 : i32 to index
              %parallel_loop3A_304 = tpu.vector_load %arg14[%parallel_loop3A_303] {strides = array<i32>} : memref<5160xf32, #tpu.memory_space<vmem>>, vector<16xf32>,
              %parallel_loop3A_305 = vector.shape_cast %parallel_loop3A_304 : vector<16xf32> to vector<16xf32>
              %parallel_loop3A_306 = arith.minimumf %parallel_loop3A_305, %gather3A_232 : vector<16xf32>
              %parallel_loop3A_307 = arith.subf %parallel_loop3A_302, %parallel_loop3A_294 : vector<16xf32>
              %parallel_loop3A_308 = arith.constant 0.000000e+00 : f32
              %parallel_loop3A_309 = vector.broadcast %parallel_loop3A_308 : f32 to vector<16xf32>
              %parallel_loop3A_310 = arith.maximumf %parallel_loop3A_307, %parallel_loop3A_309 : vector<16xf32>
              %parallel_loop3A_311 = arith.subf %parallel_loop3A_306, %parallel_loop3A_298 : vector<16xf32>
              %parallel_loop3A_312 = arith.constant 0.000000e+00 : f32
              %parallel_loop3A_313 = vector.broadcast %parallel_loop3A_312 : f32 to vector<16xf32>
              %parallel_loop3A_314 = arith.maximumf %parallel_loop3A_311, %parallel_loop3A_313 : vector<16xf32>
              %parallel_loop3A_315 = arith.mulf %parallel_loop3A_310, %parallel_loop3A_314 : vector<16xf32>
              %parallel_loop3A_316 = arith.index_cast %parallel_loop3A_290 : i32 to index
              %parallel_loop3A_317 = tpu.vector_load %arg15[%parallel_loop3A_316] {strides = array<i32>} : memref<5176xf32, #tpu.memory_space<vmem>>, vector<16xf32>,
              %parallel_loop3A_318 = vector.shape_cast %parallel_loop3A_317 : vector<16xf32> to vector<16xf32>
              %parallel_loop3A_319 = arith.addf %parallel_loop3A_318, %gather3A_242 : vector<16xf32>
              %parallel_loop3A_320 = arith.subf %parallel_loop3A_319, %parallel_loop3A_315 : vector<16xf32>
              %parallel_loop3A_321 = arith.constant 5.000000e-01 : f32
              %parallel_loop3A_322 = vector.broadcast %parallel_loop3A_321 : f32 to vector<16xf32>
              %parallel_loop3A_323 = arith.mulf %parallel_loop3A_320, %parallel_loop3A_322 : vector<16xf32>
              %parallel_loop3A_324 = arith.cmpf ogt, %parallel_loop3A_315, %parallel_loop3A_323 : vector<16xf32>
              %parallel_loop3A_325 = arith.index_cast %parallel_loop3A_290 : i32 to index
              %parallel_loop3A_326 = tpu.vector_load %arg16[%parallel_loop3A_325] {strides = array<i32>} : memref<5176xf32, #tpu.memory_space<vmem>>, vector<16xf32>,
              %parallel_loop3A_327 = vector.shape_cast %parallel_loop3A_326 : vector<16xf32> to vector<16xf32>
              %parallel_loop3A_328 = arith.constant 0.000000e+00 : f32
              %parallel_loop3A_329 = vector.broadcast %parallel_loop3A_328 : f32 to vector<16xf32>
              %parallel_loop3A_330 = arith.select %parallel_loop3A_324, %parallel_loop3A_329, %parallel_loop3A_327 : vector<16xi1>, vector<16xf32>
              %parallel_loop3A_331 = arith.index_cast %parallel_loop3A_290 : i32 to index
              %parallel_loop3A_332 = tpu.vector_load %arg16[%parallel_loop3A_331] {strides = array<i32>} : memref<5176xf32, #tpu.memory_space<vmem>>, vector<16xf32>,
              %parallel_loop3A_333 = vector.shape_cast %parallel_loop3A_332 : vector<16xf32> to vector<16xf32>
              %parallel_loop3A_334 = vector.shape_cast %parallel_loop3A_330 : vector<16xf32> to vector<16xf32>
              tpu.vector_store %arg16[%parallel_loop3A_331], %parallel_loop3A_334 {strides = array<i32>} : memref<5176xf32, #tpu.memory_space<vmem>>, vector<16xf32>,
            } {sc.loop_unroll_factor = 2 : i64, sc.parallel_access}
          } else {
          }
          %scan3A_193 = arith.constant 0 : i32
          scf.yield %scan3A_193 : i32
        }
        %scan3A_165 = arith.constant 16 : i32
        %get3A_166 = arith.index_cast %add3A_143 : i32 to index
        %get3A_167 = tpu.vector_load %arg16[%get3A_166] {strides = array<i32>} : memref<5176xf32, #tpu.memory_space<vmem>>, vector<16xf32>,
        %get3A_168 = vector.shape_cast %get3A_167 : vector<16xf32> to vector<16xf32>
        %gt3A = arith.constant 0.000000e+00 : f32
        %gt3A_169 = vector.broadcast %gt3A : f32 to vector<16xf32>
        %gt3A_170 = arith.cmpf ogt, %get3A_168, %gt3A_169 : vector<16xf32>
        %broadcast_in_dim3A = arith.constant 1 : i32
        %broadcast_in_dim3A_171 = vector.broadcast %broadcast_in_dim3A : i32 to vector<16xi32>
        %broadcast_in_dim3A_172 = arith.constant 0 : i32
        %broadcast_in_dim3A_173 = vector.broadcast %broadcast_in_dim3A_172 : i32 to vector<16xi32>
        %select_n3A_174 = arith.select %gt3A_170, %broadcast_in_dim3A_171, %broadcast_in_dim3A_173 : vector<16xi1>, vector<16xi32>
        %swap3A = arith.constant 0 : index
        %swap3A_175 = tpu.vector_load %arg21[%swap3A] {strides = array<i32>} : memref<16xi32, #tpu.memory_space<vmem>>, vector<16xi32>,
        %swap3A_176 = vector.shape_cast %swap3A_175 : vector<16xi32> to vector<16xi32>
        %swap3A_177 = vector.shape_cast %select_n3A_174 : vector<16xi32> to vector<16xi32>
        tpu.vector_store %arg21[%swap3A], %swap3A_177 {strides = array<i32>} : memref<16xi32, #tpu.memory_space<vmem>>, vector<16xi32>,
        %add3A_178 = arith.addi %squeeze3A_23, %while3A_139 : i32
        %mul3A_179 = arith.constant 16 : i32
        %mul3A_180 = arith.muli %add3A_178, %mul3A_179 : i32
        "tpu.region"() ({
          %run_scoped3A = tpu.sem_alloc : memref<!tpu.dma_semaphore, #tpu.memory_space<semaphore_mem>>
          %dma_start3A = tpu.memref_slice %arg10[%mul3A_180] : memref<6400xi32, #tpu.memory_space<hbm>> -> memref<16xi32, #tpu.memory_space<hbm>>
          %dma_start3A_182 = tpu.memref_slice %arg10[%mul3A_180] : memref<6400xi32, #tpu.memory_space<hbm>> -> memref<16xi32, #tpu.memory_space<hbm>>
          tpu.enqueue_dma source(%arg21 : memref<16xi32, #tpu.memory_space<vmem>>) target(%dma_start3A_182 : memref<16xi32, #tpu.memory_space<hbm>>) target_semaphore(%run_scoped3A : memref<!tpu.dma_semaphore, #tpu.memory_space<semaphore_mem>>)
          %dma_wait3A = tpu.memref_slice %arg10[%mul3A_180] : memref<6400xi32, #tpu.memory_space<hbm>> -> memref<16xi32, #tpu.memory_space<hbm>>
          %dma_wait3A_183 = tpu.memref_slice %arg10[%mul3A_180] : memref<6400xi32, #tpu.memory_space<hbm>> -> memref<16xi32, #tpu.memory_space<hbm>>
          tpu.wait_dma2 semaphore(%run_scoped3A : memref<!tpu.dma_semaphore, #tpu.memory_space<semaphore_mem>>) src(%arg21 : memref<16xi32, #tpu.memory_space<vmem>>) dst(%dma_wait3A_183 : memref<16xi32, #tpu.memory_space<hbm>>)
          tpu.yield
        }) : () -> ()
        %while3A_181 = arith.constant 0 : i32
        scf.yield %while3A_181 : i32
      }
      %while3A_136 = arith.constant 1 : i32
      %while3A_137 = scf.for %while3A_139 = %while3A_133 to %while3A_129 step %while3A_136 iter_args(%while3A_140 = %while3A_135) -> (i32)  : i32 {
        %mul3A_141 = arith.constant 16 : i32
        %mul3A_142 = arith.muli %while3A_139, %mul3A_141 : i32
        %add3A_143 = arith.addi %squeeze3A, %mul3A_142 : i32
        %get3A_144 = arith.index_cast %add3A_143 : i32 to index
        %get3A_145 = tpu.vector_load %arg11[%get3A_144] {strides = array<i32>} : memref<5160xf32, #tpu.memory_space<vmem>>, vector<16xf32>,
        %get3A_146 = vector.shape_cast %get3A_145 : vector<16xf32> to vector<16xf32>
        %get3A_147 = arith.index_cast %add3A_143 : i32 to index
        %get3A_148 = tpu.vector_load %arg12[%get3A_147] {strides = array<i32>} : memref<5160xf32, #tpu.memory_space<vmem>>, vector<16xf32>,
        %get3A_149 = vector.shape_cast %get3A_148 : vector<16xf32> to vector<16xf32>
        %get3A_150 = arith.index_cast %add3A_143 : i32 to index
        %get3A_151 = tpu.vector_load %arg13[%get3A_150] {strides = array<i32>} : memref<5160xf32, #tpu.memory_space<vmem>>, vector<16xf32>,
        %get3A_152 = vector.shape_cast %get3A_151 : vector<16xf32> to vector<16xf32>
        %get3A_153 = arith.index_cast %add3A_143 : i32 to index
        %get3A_154 = tpu.vector_load %arg14[%get3A_153] {strides = array<i32>} : memref<5160xf32, #tpu.memory_space<vmem>>, vector<16xf32>,
        %get3A_155 = vector.shape_cast %get3A_154 : vector<16xf32> to vector<16xf32>
        %get3A_156 = arith.index_cast %add3A_143 : i32 to index
        %get3A_157 = tpu.vector_load %arg15[%get3A_156] {strides = array<i32>} : memref<5176xf32, #tpu.memory_space<vmem>>, vector<16xf32>,
        %get3A_158 = vector.shape_cast %get3A_157 : vector<16xf32> to vector<16xf32>
        %scan3A_159 = arith.constant 0 : i32
        %scan3A_160 = arith.constant 0 : i32
        %scan3A_161 = arith.constant 16 : i32
        %scan3A_162 = arith.addi %scan3A_160, %scan3A_161 : i32
        %scan3A_163 = arith.constant 1 : i32
        %scan3A_164 = scf.for %scan3A_182 = %scan3A_160 to %scan3A_162 step %scan3A_163 iter_args(%scan3A_183 = %scan3A_159) -> (i32)  : i32 {
          %add3A_184 = arith.addi %add3A_143, %scan3A_182 : i32
          %get3A_185 = arith.index_cast %add3A_184 : i32 to index
          %get3A_186 = tpu.vector_load %arg16[%get3A_185] {strides = array<i32>} : memref<5176xf32, #tpu.memory_space<vmem>>, vector<16xf32>,
          %get3A_187 = vector.shape_cast %get3A_186 : vector<16xf32> to vector<16xf32>
          %slice3A_188 = vector.extract_strided_slice %get3A_187 {offsets = [0], sizes = [1], strides = [1]} : vector<16xf32> to vector<1xf32>
          %squeeze3A_189 = vector.extract %slice3A_188[0] : f32 from vector<1xf32>
          %gt3A_190 = arith.constant 0.000000e+00 : f32
          %gt3A_191 = arith.cmpf ogt, %squeeze3A_189, %gt3A_190 : f32
          %convert_element_type3A = arith.extui %gt3A_191 : i1 to i32
          %cond3A = arith.constant 0 : i32
          %cond3A_192 = arith.cmpi ne, %convert_element_type3A, %cond3A : i32
          scf.if %cond3A_192 {
            %broadcast_in_dim3A_194 = vector.broadcast %scan3A_182 : i32 to vector<16xi32>
            %lt3A = arith.constant 0 : i32
            %lt3A_195 = vector.broadcast %lt3A : i32 to vector<16xi32>
            %lt3A_196 = arith.cmpi slt, %broadcast_in_dim3A_194, %lt3A_195 : vector<16xi32>
            %add3A_197 = arith.constant 16 : i32
            %add3A_198 = vector.broadcast %add3A_197 : i32 to vector<16xi32>
            %add3A_199 = arith.addi %broadcast_in_dim3A_194, %add3A_198 : vector<16xi32>
            %select_n3A_200 = arith.select %lt3A_196, %add3A_199, %broadcast_in_dim3A_194 : vector<16xi1>, vector<16xi32>
            %broadcast_in_dim3A_201 = vector.shape_cast %select_n3A_200 : vector<16xi32> to vector<16x1xi32>
            %gather3A = vector.shape_cast %broadcast_in_dim3A_201 : vector<16x1xi32> to vector<16xi32>
            %gather3A_202 = tpu.dynamic_gather %get3A_146[%gather3A] in [0] : vector<16xf32>, vector<16xi32> -> vector<16xf32>
            %lt3A_203 = arith.constant 0 : i32
            %lt3A_204 = vector.broadcast %lt3A_203 : i32 to vector<16xi32>
            %lt3A_205 = arith.cmpi slt, %broadcast_in_dim3A_194, %lt3A_204 : vector<16xi32>
            %add3A_206 = arith.constant 16 : i32
            %add3A_207 = vector.broadcast %add3A_206 : i32 to vector<16xi32>
            %add3A_208 = arith.addi %broadcast_in_dim3A_194, %add3A_207 : vector<16xi32>
            %select_n3A_209 = arith.select %lt3A_205, %add3A_208, %broadcast_in_dim3A_194 : vector<16xi1>, vector<16xi32>
            %broadcast_in_dim3A_210 = vector.shape_cast %select_n3A_209 : vector<16xi32> to vector<16x1xi32>
            %gather3A_211 = vector.shape_cast %broadcast_in_dim3A_210 : vector<16x1xi32> to vector<16xi32>
            %gather3A_212 = tpu.dynamic_gather %get3A_149[%gather3A_211] in [0] : vector<16xf32>, vector<16xi32> -> vector<16xf32>
            %lt3A_213 = arith.constant 0 : i32
            %lt3A_214 = vector.broadcast %lt3A_213 : i32 to vector<16xi32>
            %lt3A_215 = arith.cmpi slt, %broadcast_in_dim3A_194, %lt3A_214 : vector<16xi32>
            %add3A_216 = arith.constant 16 : i32
            %add3A_217 = vector.broadcast %add3A_216 : i32 to vector<16xi32>
            %add3A_218 = arith.addi %broadcast_in_dim3A_194, %add3A_217 : vector<16xi32>
            %select_n3A_219 = arith.select %lt3A_215, %add3A_218, %broadcast_in_dim3A_194 : vector<16xi1>, vector<16xi32>
            %broadcast_in_dim3A_220 = vector.shape_cast %select_n3A_219 : vector<16xi32> to vector<16x1xi32>
            %gather3A_221 = vector.shape_cast %broadcast_in_dim3A_220 : vector<16x1xi32> to vector<16xi32>
            %gather3A_222 = tpu.dynamic_gather %get3A_152[%gather3A_221] in [0] : vector<16xf32>, vector<16xi32> -> vector<16xf32>
            %lt3A_223 = arith.constant 0 : i32
            %lt3A_224 = vector.broadcast %lt3A_223 : i32 to vector<16xi32>
            %lt3A_225 = arith.cmpi slt, %broadcast_in_dim3A_194, %lt3A_224 : vector<16xi32>
            %add3A_226 = arith.constant 16 : i32
            %add3A_227 = vector.broadcast %add3A_226 : i32 to vector<16xi32>
            %add3A_228 = arith.addi %broadcast_in_dim3A_194, %add3A_227 : vector<16xi32>
            %select_n3A_229 = arith.select %lt3A_225, %add3A_228, %broadcast_in_dim3A_194 : vector<16xi1>, vector<16xi32>
            %broadcast_in_dim3A_230 = vector.shape_cast %select_n3A_229 : vector<16xi32> to vector<16x1xi32>
            %gather3A_231 = vector.shape_cast %broadcast_in_dim3A_230 : vector<16x1xi32> to vector<16xi32>
            %gather3A_232 = tpu.dynamic_gather %get3A_155[%gather3A_231] in [0] : vector<16xf32>, vector<16xi32> -> vector<16xf32>
            %lt3A_233 = arith.constant 0 : i32
            %lt3A_234 = vector.broadcast %lt3A_233 : i32 to vector<16xi32>
            %lt3A_235 = arith.cmpi slt, %broadcast_in_dim3A_194, %lt3A_234 : vector<16xi32>
            %add3A_236 = arith.constant 16 : i32
            %add3A_237 = vector.broadcast %add3A_236 : i32 to vector<16xi32>
            %add3A_238 = arith.addi %broadcast_in_dim3A_194, %add3A_237 : vector<16xi32>
            %select_n3A_239 = arith.select %lt3A_235, %add3A_238, %broadcast_in_dim3A_194 : vector<16xi1>, vector<16xi32>
            %broadcast_in_dim3A_240 = vector.shape_cast %select_n3A_239 : vector<16xi32> to vector<16x1xi32>
            %gather3A_241 = vector.shape_cast %broadcast_in_dim3A_240 : vector<16x1xi32> to vector<16xi32>
            %gather3A_242 = tpu.dynamic_gather %get3A_158[%gather3A_241] in [0] : vector<16xf32>, vector<16xi32> -> vector<16xf32>
            %gt3A_243 = vector.broadcast %scan3A_182 : i32 to vector<16xi32>
            %gt3A_244 = arith.cmpi sgt, %iota3A, %gt3A_243 : vector<16xi32>
            %get3A_245 = arith.index_cast %add3A_143 : i32 to index
            %get3A_246 = tpu.vector_load %arg11[%get3A_245] {strides = array<i32>} : memref<5160xf32, #tpu.memory_space<vmem>>, vector<16xf32>,
            %get3A_247 = vector.shape_cast %get3A_246 : vector<16xf32> to vector<16xf32>
            %max3A = arith.maximumf %get3A_247, %gather3A_202 : vector<16xf32>
            %get3A_248 = arith.index_cast %add3A_143 : i32 to index
            %get3A_249 = tpu.vector_load %arg12[%get3A_248] {strides = array<i32>} : memref<5160xf32, #tpu.memory_space<vmem>>, vector<16xf32>,
            %get3A_250 = vector.shape_cast %get3A_249 : vector<16xf32> to vector<16xf32>
            %max3A_251 = arith.maximumf %get3A_250, %gather3A_212 : vector<16xf32>
            %get3A_252 = arith.index_cast %add3A_143 : i32 to index
            %get3A_253 = tpu.vector_load %arg13[%get3A_252] {strides = array<i32>} : memref<5160xf32, #tpu.memory_space<vmem>>, vector<16xf32>,
            %get3A_254 = vector.shape_cast %get3A_253 : vector<16xf32> to vector<16xf32>
            %min3A = arith.minimumf %get3A_254, %gather3A_222 : vector<16xf32>
            %get3A_255 = arith.index_cast %add3A_143 : i32 to index
            %get3A_256 = tpu.vector_load %arg14[%get3A_255] {strides = array<i32>} : memref<5160xf32, #tpu.memory_space<vmem>>, vector<16xf32>,
            %get3A_257 = vector.shape_cast %get3A_256 : vector<16xf32> to vector<16xf32>
            %min3A_258 = arith.minimumf %get3A_257, %gather3A_232 : vector<16xf32>
            %sub3A_259 = arith.subf %min3A, %max3A : vector<16xf32>
            %max3A_260 = arith.constant 0.000000e+00 : f32
            %max3A_261 = vector.broadcast %max3A_260 : f32 to vector<16xf32>
            %max3A_262 = arith.maximumf %sub3A_259, %max3A_261 : vector<16xf32>
            %sub3A_263 = arith.subf %min3A_258, %max3A_251 : vector<16xf32>
            %max3A_264 = arith.constant 0.000000e+00 : f32
            %max3A_265 = vector.broadcast %max3A_264 : f32 to vector<16xf32>
            %max3A_266 = arith.maximumf %sub3A_263, %max3A_265 : vector<16xf32>
            %mul3A_267 = arith.mulf %max3A_262, %max3A_266 : vector<16xf32>
            %get3A_268 = arith.index_cast %add3A_143 : i32 to index
            %get3A_269 = tpu.vector_load %arg15[%get3A_268] {strides = array<i32>} : memref<5176xf32, #tpu.memory_space<vmem>>, vector<16xf32>,
            %get3A_270 = vector.shape_cast %get3A_269 : vector<16xf32> to vector<16xf32>
            %add3A_271 = arith.addf %get3A_270, %gather3A_242 : vector<16xf32>
            %sub3A_272 = arith.subf %add3A_271, %mul3A_267 : vector<16xf32>
            %mul3A_273 = arith.constant 5.000000e-01 : f32
            %mul3A_274 = vector.broadcast %mul3A_273 : f32 to vector<16xf32>
            %mul3A_275 = arith.mulf %sub3A_272, %mul3A_274 : vector<16xf32>
            %gt3A_276 = arith.cmpf ogt, %mul3A_267, %mul3A_275 : vector<16xf32>
            %and3A_277 = arith.andi %gt3A_276, %gt3A_244 : vector<16xi1>
            %get3A_278 = arith.index_cast %add3A_143 : i32 to index
            %get3A_279 = tpu.vector_load %arg16[%get3A_278] {strides = array<i32>} : memref<5176xf32, #tpu.memory_space<vmem>>, vector<16xf32>,
            %get3A_280 = vector.shape_cast %get3A_279 : vector<16xf32> to vector<16xf32>
            %jit3A_281 = arith.constant 0.000000e+00 : f32
            %broadcast_in_dim3A_282 = vector.broadcast %jit3A_281 : f32 to vector<16xf32>
            %select_n3A_283 = arith.select %and3A_277, %broadcast_in_dim3A_282, %get3A_280 : vector<16xi1>, vector<16xf32>
            %swap3A_284 = arith.index_cast %add3A_143 : i32 to index
            %swap3A_285 = tpu.vector_load %arg16[%swap3A_284] {strides = array<i32>} : memref<5176xf32, #tpu.memory_space<vmem>>, vector<16xf32>,
            %swap3A_286 = vector.shape_cast %swap3A_285 : vector<16xf32> to vector<16xf32>
            %swap3A_287 = vector.shape_cast %select_n3A_283 : vector<16xf32> to vector<16xf32>
            tpu.vector_store %arg16[%swap3A_284], %swap3A_287 {strides = array<i32>} : memref<5176xf32, #tpu.memory_space<vmem>>, vector<16xf32>,
            %add3A_288 = arith.constant 16 : i32
            %add3A_289 = arith.addi %add3A_143, %add3A_288 : i32
            %parallel_loop3A = arith.constant 16 : i32
            scf.for %parallel_loop3A_290 = %add3A_289 to %add3A_46 step %parallel_loop3A  : i32 {
              %parallel_loop3A_291 = arith.index_cast %parallel_loop3A_290 : i32 to index
              %parallel_loop3A_292 = tpu.vector_load %arg11[%parallel_loop3A_291] {strides = array<i32>} : memref<5160xf32, #tpu.memory_space<vmem>>, vector<16xf32>,
              %parallel_loop3A_293 = vector.shape_cast %parallel_loop3A_292 : vector<16xf32> to vector<16xf32>
              %parallel_loop3A_294 = arith.maximumf %parallel_loop3A_293, %gather3A_202 : vector<16xf32>
              %parallel_loop3A_295 = arith.index_cast %parallel_loop3A_290 : i32 to index
              %parallel_loop3A_296 = tpu.vector_load %arg12[%parallel_loop3A_295] {strides = array<i32>} : memref<5160xf32, #tpu.memory_space<vmem>>, vector<16xf32>,
              %parallel_loop3A_297 = vector.shape_cast %parallel_loop3A_296 : vector<16xf32> to vector<16xf32>
              %parallel_loop3A_298 = arith.maximumf %parallel_loop3A_297, %gather3A_212 : vector<16xf32>
              %parallel_loop3A_299 = arith.index_cast %parallel_loop3A_290 : i32 to index
              %parallel_loop3A_300 = tpu.vector_load %arg13[%parallel_loop3A_299] {strides = array<i32>} : memref<5160xf32, #tpu.memory_space<vmem>>, vector<16xf32>,
              %parallel_loop3A_301 = vector.shape_cast %parallel_loop3A_300 : vector<16xf32> to vector<16xf32>
              %parallel_loop3A_302 = arith.minimumf %parallel_loop3A_301, %gather3A_222 : vector<16xf32>
              %parallel_loop3A_303 = arith.index_cast %parallel_loop3A_290 : i32 to index
              %parallel_loop3A_304 = tpu.vector_load %arg14[%parallel_loop3A_303] {strides = array<i32>} : memref<5160xf32, #tpu.memory_space<vmem>>, vector<16xf32>,
              %parallel_loop3A_305 = vector.shape_cast %parallel_loop3A_304 : vector<16xf32> to vector<16xf32>
              %parallel_loop3A_306 = arith.minimumf %parallel_loop3A_305, %gather3A_232 : vector<16xf32>
              %parallel_loop3A_307 = arith.subf %parallel_loop3A_302, %parallel_loop3A_294 : vector<16xf32>
              %parallel_loop3A_308 = arith.constant 0.000000e+00 : f32
              %parallel_loop3A_309 = vector.broadcast %parallel_loop3A_308 : f32 to vector<16xf32>
              %parallel_loop3A_310 = arith.maximumf %parallel_loop3A_307, %parallel_loop3A_309 : vector<16xf32>
              %parallel_loop3A_311 = arith.subf %parallel_loop3A_306, %parallel_loop3A_298 : vector<16xf32>
              %parallel_loop3A_312 = arith.constant 0.000000e+00 : f32
              %parallel_loop3A_313 = vector.broadcast %parallel_loop3A_312 : f32 to vector<16xf32>
              %parallel_loop3A_314 = arith.maximumf %parallel_loop3A_311, %parallel_loop3A_313 : vector<16xf32>
              %parallel_loop3A_315 = arith.mulf %parallel_loop3A_310, %parallel_loop3A_314 : vector<16xf32>
              %parallel_loop3A_316 = arith.index_cast %parallel_loop3A_290 : i32 to index
              %parallel_loop3A_317 = tpu.vector_load %arg15[%parallel_loop3A_316] {strides = array<i32>} : memref<5176xf32, #tpu.memory_space<vmem>>, vector<16xf32>,
              %parallel_loop3A_318 = vector.shape_cast %parallel_loop3A_317 : vector<16xf32> to vector<16xf32>
              %parallel_loop3A_319 = arith.addf %parallel_loop3A_318, %gather3A_242 : vector<16xf32>
              %parallel_loop3A_320 = arith.subf %parallel_loop3A_319, %parallel_loop3A_315 : vector<16xf32>
              %parallel_loop3A_321 = arith.constant 5.000000e-01 : f32
              %parallel_loop3A_322 = vector.broadcast %parallel_loop3A_321 : f32 to vector<16xf32>
              %parallel_loop3A_323 = arith.mulf %parallel_loop3A_320, %parallel_loop3A_322 : vector<16xf32>
              %parallel_loop3A_324 = arith.cmpf ogt, %parallel_loop3A_315, %parallel_loop3A_323 : vector<16xf32>
              %parallel_loop3A_325 = arith.index_cast %parallel_loop3A_290 : i32 to index
              %parallel_loop3A_326 = tpu.vector_load %arg16[%parallel_loop3A_325] {strides = array<i32>} : memref<5176xf32, #tpu.memory_space<vmem>>, vector<16xf32>,
              %parallel_loop3A_327 = vector.shape_cast %parallel_loop3A_326 : vector<16xf32> to vector<16xf32>
              %parallel_loop3A_328 = arith.constant 0.000000e+00 : f32
              %parallel_loop3A_329 = vector.broadcast %parallel_loop3A_328 : f32 to vector<16xf32>
              %parallel_loop3A_330 = arith.select %parallel_loop3A_324, %parallel_loop3A_329, %parallel_loop3A_327 : vector<16xi1>, vector<16xf32>
              %parallel_loop3A_331 = arith.index_cast %parallel_loop3A_290 : i32 to index
              %parallel_loop3A_332 = tpu.vector_load %arg16[%parallel_loop3A_331] {strides = array<i32>} : memref<5176xf32, #tpu.memory_space<vmem>>, vector<16xf32>,
              %parallel_loop3A_333 = vector.shape_cast %parallel_loop3A_332 : vector<16xf32> to vector<16xf32>
              %parallel_loop3A_334 = vector.shape_cast %parallel_loop3A_330 : vector<16xf32> to vector<16xf32>
              tpu.vector_store %arg16[%parallel_loop3A_331], %parallel_loop3A_334 {strides = array<i32>} : memref<5176xf32, #tpu.memory_space<vmem>>, vector<16xf32>,
            } {sc.loop_unroll_factor = 2 : i64, sc.parallel_access}
          } else {
          }
          %scan3A_193 = arith.constant 0 : i32
          scf.yield %scan3A_193 : i32
        }
        %scan3A_165 = arith.constant 16 : i32
        %get3A_166 = arith.index_cast %add3A_143 : i32 to index
        %get3A_167 = tpu.vector_load %arg16[%get3A_166] {strides = array<i32>} : memref<5176xf32, #tpu.memory_space<vmem>>, vector<16xf32>,
        %get3A_168 = vector.shape_cast %get3A_167 : vector<16xf32> to vector<16xf32>
        %gt3A = arith.constant 0.000000e+00 : f32
        %gt3A_169 = vector.broadcast %gt3A : f32 to vector<16xf32>
        %gt3A_170 = arith.cmpf ogt, %get3A_168, %gt3A_169 : vector<16xf32>
        %broadcast_in_dim3A = arith.constant 1 : i32
        %broadcast_in_dim3A_171 = vector.broadcast %broadcast_in_dim3A : i32 to vector<16xi32>
        %broadcast_in_dim3A_172 = arith.constant 0 : i32
        %broadcast_in_dim3A_173 = vector.broadcast %broadcast_in_dim3A_172 : i32 to vector<16xi32>
        %select_n3A_174 = arith.select %gt3A_170, %broadcast_in_dim3A_171, %broadcast_in_dim3A_173 : vector<16xi1>, vector<16xi32>
        %swap3A = arith.constant 0 : index
        %swap3A_175 = tpu.vector_load %arg21[%swap3A] {strides = array<i32>} : memref<16xi32, #tpu.memory_space<vmem>>, vector<16xi32>,
        %swap3A_176 = vector.shape_cast %swap3A_175 : vector<16xi32> to vector<16xi32>
        %swap3A_177 = vector.shape_cast %select_n3A_174 : vector<16xi32> to vector<16xi32>
        tpu.vector_store %arg21[%swap3A], %swap3A_177 {strides = array<i32>} : memref<16xi32, #tpu.memory_space<vmem>>, vector<16xi32>,
        %add3A_178 = arith.addi %squeeze3A_23, %while3A_139 : i32
        %mul3A_179 = arith.constant 16 : i32
        %mul3A_180 = arith.muli %add3A_178, %mul3A_179 : i32
        "tpu.region"() ({
          %run_scoped3A = tpu.sem_alloc : memref<!tpu.dma_semaphore, #tpu.memory_space<semaphore_mem>>
          %dma_start3A = tpu.memref_slice %arg10[%mul3A_180] : memref<6400xi32, #tpu.memory_space<hbm>> -> memref<16xi32, #tpu.memory_space<hbm>>
          %dma_start3A_182 = tpu.memref_slice %arg10[%mul3A_180] : memref<6400xi32, #tpu.memory_space<hbm>> -> memref<16xi32, #tpu.memory_space<hbm>>
          tpu.enqueue_dma source(%arg21 : memref<16xi32, #tpu.memory_space<vmem>>) target(%dma_start3A_182 : memref<16xi32, #tpu.memory_space<hbm>>) target_semaphore(%run_scoped3A : memref<!tpu.dma_semaphore, #tpu.memory_space<semaphore_mem>>)
          %dma_wait3A = tpu.memref_slice %arg10[%mul3A_180] : memref<6400xi32, #tpu.memory_space<hbm>> -> memref<16xi32, #tpu.memory_space<hbm>>
          %dma_wait3A_183 = tpu.memref_slice %arg10[%mul3A_180] : memref<6400xi32, #tpu.memory_space<hbm>> -> memref<16xi32, #tpu.memory_space<hbm>>
          tpu.wait_dma2 semaphore(%run_scoped3A : memref<!tpu.dma_semaphore, #tpu.memory_space<semaphore_mem>>) src(%arg21 : memref<16xi32, #tpu.memory_space<vmem>>) dst(%dma_wait3A_183 : memref<16xi32, #tpu.memory_space<hbm>>)
          tpu.yield
        }) : () -> ()
        %while3A_181 = arith.constant 0 : i32
        scf.yield %while3A_181 : i32
      }
      %scan3A_138 = arith.constant 0 : i32
      scf.yield %scan3A_138 : i32
    }
    %scan3A_6 = arith.constant 5 : i32
    return
  }
}

</mosaic_0001>

<sc_bundles>
// kernel: gather_offload_async_start.1
scs
__scs_entry_jumppad:
0x0: {  	(pc) =	sbr.rel $0x88, $3  }
0x1: {  	(tag) =	ssettag $0x0;
	lr =	simm.s32 $0x1  }
0x2: {  	[smem:$0x3F9E] =	sst lr;
	_ =	strace $0xD0000000  }
0x3: {  	_ = 	snop  }
0x4: {  	_ = 	snop  }
0x5: {  	_ = 	snop  }
0x6: {  	_ = 	snop  }
0x7: {  	_ = 	snop  }
__scs_overlays_trampoline_lowered:
0x8: {  	[smem:$0x3FAD] =	sst s0  }
0x9: {  	[smem:$0x3FAE] =	sst s1  }
0xa: {  	[smem:$0x3FAF] =	sst s2  }
0xb: {  	[smem:$0x3FB0] =	sst s3  }
0xc: {  	[smem:$0x3FB1] =	sst s4  }
0xd: {  	[smem:$0x3FB2] =	sst s5  }
0xe: {  	[smem:$0x3FB3] =	sst s6  }
0xf: {  	[smem:$0x3FB4] =	sst s7  }
0x10: {  	[smem:$0x3FB5] =	sst s8  }
0x11: {  	[smem:$0x3FB6] =	sst s9;
	s0 =	simm.s32 @!p0 $0x0  }
0x12: {  	s1 =	sld [smem:$0x3F9C];
	s0 =	simm.s32 @p0 $0x1  }
0x13: {  	[smem:$0x3FB7] =	sst s0;
	s0 =	simm.s32 @!p1 $0x0  }
0x14: {  	s2 =	sld [smem:$0x3F9B];
	s0 =	simm.s32 @p1 $0x1  }
0x15: {  	[smem:$0x3FB8] =	sst s0;
	s0 =	simm.s32 @!p2 $0x0  }
0x16: {  	s3 =	sld [smem:$0x3FDB];
	s0 =	simm.s32 @p2 $0x1  }
0x17: {  	s4 =	simm.s32 $0x1BF5;
	[smem:$0x3FBA] =	sst s0  }
0x18: {  	s0 =	sld [smem:$0x3F9D];
	_ =	swait.ge [sflag:s4], $0x0  }
0x19: {  	s7 =	sld [smem:$0x3F9E]  }
0x1a: {  	s8 =	sadd.s32 $0xFFFFE003, lr  }
0x1b: {  	s9 =	sadd.s32 $0xFFFFFEF7, lr;
	s5 =	simm.s32 $0xFFFFFFFF;
	p2 =	slt.u32 s8, $0xFFFFF086  }
0x1c: {  	p1 =	slt.u32 s9, $0xF7A;
	s5 =	simm.s32 @!p2 $0x0  }
0x1d: {  	s5 =	simm.s32 @p1 $0x1;
	p0 =	seq.s32 s7, s2  }
0x1e: {  	s7 =	smul.u32 @!p0 $0xF7A, s2;
	p2 =	seq.s32 @!p0 s5, $0x0  }
0x1f: {  	s9 =	smul.u32 $0xF7A, s1;
	s8 =	simm.s32 @!p0 $0x1BF5;
	p2 =	por !p2, p0  }
0x20: {  	[sflag:s8] =	ssyncset.s32 @!p0 $0xFFFFF086;
	s6 =	sadd.s32 @!p0 s3, s7;
	s7 =	simm.s32 @!p0 $0x108  }
0x21: {  	s3 =	sadd.s32 s3, s9;
	s6 =	sadd.s32 @!p0 $0x88, s6;
	s7 =	simm.s32 @p2 $0x1082  }
0x22: {  	[simem:s7], [sflag:s8] =	dma.local @!p0 [hbm:s6], $0xF7A  }
0x23: {  	s9 =	sor.u32 $0xD0000000, s2;
	s6 =	simm.s32 $0x108;
	_ =	swait.ge @!p0 [sflag:s8], $0x0  }
0x24: {  	s3 =	sadd.s32 $0x88, s3;
	s6 =	simm.s32 @!p1 $0x1082;
	[sflag:s4] =	ssyncset.s32 $0xFFFFF086  }
0x25: {  	[simem:s6], [sflag:s4] =	dma.local [hbm:s3], $0xF7A  }
0x26: {  	[smem:$0x3F9E] =	sst s1;
	(tag) =	ssettag s2;
	_ =	strace s9  }
0x27: {  	s1 =	sld [smem:$0x3FAE]  }
0x28: {  	s2 =	sld [smem:$0x3FAF]  }
0x29: {  	s4 =	sld [smem:$0x3FB1]  }
0x2a: {  	p0 =	seq.s32 s5, $0x0;
	s5 =	sld [smem:$0x3FB2]  }
0x2b: {  	s6 =	sld [smem:$0x3FB3]  }
0x2c: {  	s7 =	sld [smem:$0x3FB4]  }
0x2d: {  	s3 =	simm.s32 $0x108;
	s8 =	sld [smem:$0x3FB5]  }
0x2e: {  	s3 =	simm.s32 @!p0 $0x1082;
	s9 =	sld [smem:$0x3FB6]  }
0x2f: {  	lr =	sadd.s32 s0, s3;
	s0 =	sld [smem:$0x3FAD]  }
0x30: {  	s3 =	sld [smem:$0x3FB0]  }
0x31: {  	[smem:$0x3FB9] =	sst s10  }
0x32: {  	s10 =	sld [smem:$0x3FB7];
	_ =	sdelay $0x3  }
0x33: {  	p0 =	seq.s32 s10, $0x1;
	s10 =	sld [smem:$0x3FB9];
	_ =	sdelay $0x3  }
0x34: {  	[smem:$0x3FB9] =	sst s10  }
0x35: {  	s10 =	sld [smem:$0x3FB8];
	_ =	sdelay $0x3  }
0x36: {  	p1 =	seq.s32 s10, $0x1;
	s10 =	sld [smem:$0x3FB9];
	_ =	sdelay $0x3  }
0x37: {  	[smem:$0x3FB9] =	sst s10  }
0x38: {  	s10 =	sld [smem:$0x3FBA]  }
0x39: {  	_ = 	snop;
	(pc) =	sbr.ind lr, $3  }
0x3a: {  	_ = 	snop  }
0x3b: {  	_ = 	snop  }
0x3c: {  	p2 =	seq.s32 s10, $0x1;
	s10 =	sld [smem:$0x3FB9]  }
0x3d: {  	_ =	shalt  }
0x3e: {  	_ =	shalt  }
0x3f: {  	_ =	shalt  }
0x40: {  	_ =	shalt  }
0x41: {  	_ =	shalt  }
0x42: {  	_ =	shalt  }
0x43: {  	_ =	shalt  }
0x44: {  	_ =	shalt  }
0x45: {  	_ =	shalt  }
0x46: {  	_ =	shalt  }
0x47: {  	_ =	shalt  }
0x48: {  	_ =	shalt  }
0x49: {  	_ =	shalt  }
0x4a: {  	_ =	shalt  }
0x4b: {  	_ =	shalt  }
0x4c: {  	_ =	shalt  }
0x4d: {  	_ =	shalt  }
0x4e: {  	_ =	shalt  }
0x4f: {  	_ =	shalt  }
0x50: {  	_ =	shalt  }
0x51: {  	_ =	shalt  }
0x52: {  	_ =	shalt  }
0x53: {  	_ =	shalt  }
0x54: {  	_ =	shalt  }
0x55: {  	_ =	shalt  }
0x56: {  	_ =	shalt  }
0x57: {  	_ =	shalt  }
0x58: {  	_ =	shalt  }
0x59: {  	_ =	shalt  }
0x5a: {  	_ =	shalt  }
0x5b: {  	_ =	shalt  }
0x5c: {  	_ =	shalt  }
0x5d: {  	_ =	shalt  }
0x5e: {  	_ =	shalt  }
0x5f: {  	_ =	shalt  }
0x60: {  	_ =	shalt  }
0x61: {  	_ =	shalt  }
0x62: {  	_ =	shalt  }
0x63: {  	_ =	shalt  }
0x64: {  	_ =	shalt  }
0x65: {  	_ =	shalt  }
0x66: {  	_ =	shalt  }
0x67: {  	_ =	shalt  }
0x68: {  	_ =	shalt  }
0x69: {  	_ =	shalt  }
0x6a: {  	_ =	shalt  }
0x6b: {  	_ =	shalt  }
0x6c: {  	_ =	shalt  }
0x6d: {  	_ =	shalt  }
0x6e: {  	_ =	shalt  }
0x6f: {  	_ =	shalt  }
0x70: {  	_ =	shalt  }
0x71: {  	_ =	shalt  }
0x72: {  	_ =	shalt  }
0x73: {  	_ =	shalt  }
0x74: {  	_ =	shalt  }
0x75: {  	_ =	shalt  }
0x76: {  	_ =	shalt  }
0x77: {  	_ =	shalt  }
0x78: {  	_ =	shalt  }
0x79: {  	_ =	shalt  }
0x7a: {  	_ =	shalt  }
0x7b: {  	_ =	shalt  }
0x7c: {  	_ =	shalt  }
0x7d: {  	_ =	shalt  }
0x7e: {  	_ =	shalt  }
0x7f: {  	_ =	shalt  }
0x80: {  	_ =	shalt  }
0x81: {  	_ =	shalt  }
0x82: {  	_ =	shalt  }
0x83: {  	_ =	shalt  }
0x84: {  	_ =	shalt  }
0x85: {  	_ =	shalt  }
0x86: {  	_ =	shalt  }
0x87: {  	_ =	shalt  }
.Lfunc_end0:
.L_simem_size_0:
called_computation.2_lowered:
.L_overlay_start_0:
0x88: {  	s0 =	sld [smem:$0x3FD9]  }
0x89: {  	s1 =	sld [smem:$0x3FFE];
	_ =	sdelay $0x3  }
0x8a: {  	s0 =	sadd.s32 s1, s0  }
0x8b: {  	[smem:$0x3FC5] =	sst s0  }
0x8c: {  	_ = 	snop  }
0x8d: {  	s0 =	sld [smem:$0x3FD0];
	(tm) =	ssettm $0x1  }
0x8e: {  	s16 =	sld [smem:$0x3FFB];
	_ =	sdelay $0x3  }
0x8f: {  	_ =	strace s16  }
0x90: {  	s1 =	sld [smem:$0x3FFC];
	_ =	sdelay $0x3  }
0x91: {  	_ =	strace s1  }
0x92: {  	s1 =	sld [smem:$0x3FFD];
	_ =	sdelay $0x3  }
0x93: {  	_ =	strace s1  }
0x94: {  	_ =	strace $0x8FFFFFFF  }
0x95: {  	s17 =	sld [smem:$0x3FDB];
	_ =	sdelay $0x1  }
0x96: {  	s2 =	simm.s32 $_scs_section_size  }
0x97: {  	s3 =	simm.s32 $_size__tile_overlayer_lowered;
	s4 =	simm.s32 $_tile_overlayer_lowered  }
0x98: {  	s20 =	simm.s32 $0x1BFF;
	s19 =	sshll.u32 s4, $0x1;
	s1 =	sadd.s32 s2, s17  }
0x99: {  	s5 =	simm.s32 $0x0;
	s18 =	sshll.u32 s3, $0x1;
	s3 =	sadd.s32 s19, s1  }
0x9a: {  	[timem:s5], [sflag:s20] =	dma.local [hbm:s3], s18  }
0x9b: {  	_ =	swait.ge [sflag:s20], s18  }
0x9c: {  	s2 =	ssub.s32 $0x0, s18;
	[sflag:s20] =	ssyncset.done $0x0  }
0x9d: {  	[sflag:s20] =	ssyncadd.s32 s2;
	_ =	sdelay $0x1  }
0x9e: {  	s21 =	simm.s32 $0x1B8B  }
0x9f: {  	_ =	swait.ge [sflag:s21], $0x1  }
0xa0: {  	[sflag:s21] =	ssyncset.done $0x0  }
0xa1: {  	s23 =	simm.s32 $0x1B8E;
	s22 =	sld [smem:$0x3FFE];
	[sflag:s21] =	ssyncadd.s32 $0xFFFFFFFF  }
0xa2: {  	s24 =	simm.s32 $execute0_lowered;
	[smem:$0x3FD2] =	sst s23  }
0xa3: {  	s3 =	sshll.u32 s24, $0x1;
	_ =	strace $0x80000049;
	[dreg:$0x1] =	wrdreg $0xFFFFFFFF  }
0xa4: {  	s25 =	simm.s32 $_size_execute0_lowered;
	s1 =	sadd.s32 s1, s3;
	[dreg:$0x0] =	wrdreg $0x0  }
0xa5: {  	s3 =	sshll.u32 s25, $0x1;
	[dreg:$0x2] =	wrdreg s1  }
0xa6: {  	[dreg:$0x3] =	wrdreg s3  }
0xa7: {  	[dreg:$0x4] =	wrdreg $0xC0  }
0xa8: {  	_ =	task [dreg:s5], $0x5FFFF  }
0xa9: {  	[dreg:$0x1] =	wrdreg $0xFFFFFFFF  }
0xaa: {  	[dreg:$0x0] =	wrdreg $0x60  }
0xab: {  	[dreg:$0x2] =	wrdreg s22  }
0xac: {  	[dreg:$0x3] =	wrdreg s0  }
0xad: {  	[dreg:$0x4] =	wrdreg $0x9  }
0xae: {  	_ =	task.clear_ibuf [dreg:s5], $0x5FFFF;
	_ =	strace $0x90000049  }
0xaf: {  	s26 =	simm.s32 $0x9;
	_ =	strace $0x8000004B  }
0xb0: {  	_ =	swait.ge [sflag:s26], $0x1  }
0xb1: {  	[sflag:s26] =	ssyncadd.s32 $0xFFFFFFFF  }
0xb2: {  	_ =	strace $0x9000004B  }
0xb3: {  	_ =	sfence  }
0xb4: {  	s28 =	sld [smem:$0x0];
	_ =	sdelay $0x1  }
0xb5: {  	s29 =	srdreg.scid  }
0xb6: {  	s30 =	sshll.u32 s29, $0xD;
	s31 =	sshrl.u32 s29, $0x2  }
0xb7: {  	s2 =	sand.u32 $0x4000, s30;
	s1 =	sand.u32 $0x1, s29;
	s0 =	sadd.s32 s31, s28  }
0xb8: {  	s1 =	sor.u32 s2, s1;
	s0 =	sshll.u32 s0, $0x11  }
0xb9: {  	s0 =	sor.u32 s0, s1  }
0xba: {  	s0 =	sadd.s32 $0x8F2B, s0  }
0xbb: {  	[sflag:s0] =	ssyncadd.remote.s32 $0x1  }
0xbc: {  	_ =	sfence.sel $0xFFFF  }
0xbd: {  	[dreg:$0x0] =	wrdreg $0xFFFFFFFF;
	(pc) =	sbr.abs _section_cstart, $3  }
0xbe: {  	[dreg:$0x1] =	wrdreg $0xFFFFFFFF  }
0xbf: {  	_ =	task.clear_ibuf [dreg:s5], $0x2FFFF;
	_ =	strace $0x9FFFFFFF  }
0xc0: {  	(tm) =	ssettm $0x7FFFFFFF  }
0xc1: {  	_ =	shalt  }
tec
execute0_lowered:
.L_overlay_start_1:
0x0: {  	(tag) =	ssettag $0x1  }
0x1: {  	s5 =	rddreg [dreg:$0x0]  }
0x2: {  	s2 =	rddreg [dreg:$0x1]  }
0x3: {  	s0 =	rddreg [dreg:$0x2];
	s1 =	stileid.u32;
	_ =	strace $0x8000004A  }
0x4: {  	s6 =	simm.s32 $0x1;
	s8 =	simm.s32 $0x2;
	s30 =	simm.s32 $0x3  }
0x5: {  	s12 =	simm.s32 $0x0;
	s9 =	simm.s32 $0x0;
	s4 =	sshll.u32 s1, $0x4  }
0x6: {  	s10 =	simm.s32 $0x0;
	s3 =	sadd.s32 $0x200, s5;
	s7 =	ssub.s32 $0x1380, s4  }
0x7: {  	s5 =	sadd.s32 $0x1C00, s5;
	[sflag:s6] =	ssyncpa.u1 $0x0;
	s6 =	sshrl.u32 s7, $0x8  }
0x8: {  	[sflag:s8] =	ssyncpa.u1 $0x0;
	s11 =	smov.u32 s4;
	s31 =	sshll.u32 s6, $0x4  }
0x9: {  	[sflag:s30] =	ssyncpa.u1 $0x0;
	s7 =	sadd.s32 $0x2, s6;
	s8 =	sadd.s32 $0x30, s31  }
.LBB2_1:
0xa: {  	p0 =	sgt.u32 s10, s6  }
0xb: {  	s13 =	sxor.u32 @!p0 $0xFFFFFFFF, s9;
	s14 =	sshrl.u32 @!p0 s11, $0x3  }
0xc: {  	s15 =	sand.u32 @!p0 $0x7, s11;
	s13 =	sand.u32 @!p0 $0x10, s13;
	s14 =	sadd.s32 @!p0 s2, s14  }
0xd: {  	[tilespmem:s13], [sflag:$0x2] =	stream.linear.gather @!p0 [hbm4b:s14+s15], $0x10, $0x38;
	[tilespmem:$0x40] =	vst v63  }
0xe: {  	p0 =	seq.s32 s9, $0x0  }
0xf: {  	p1 =	sge.u32 @!p0 s10, s7  }
0x10: {  	p0 =	por p1, p0  }
0x11: {  	s13 =	simm.s32 @!p0 $0x2  }
0x12: {  	_ =	swait.ge @!p0 [sflag:s13], $0x10  }
0x13: {  	[sflag:s13] =	ssyncset.done @!p0 $0x0  }
0x14: {  	[sflag:s13] =	ssyncadd.s32 @!p0 $0xFFFFFFF0;
	s13 =	sand.u32 @!p0 $0x10, s9  }
0x15: {  	(ifvalue) =	ssetifvalue @!p0 $0x7FFFFFFF;
	v0 =	vld.msk @!p0 [tilespmem:s13+$0x0 ss:$0x1], $0xffff;
	_ =	sdelay $0x4  }
0x16: {  	vm0 =	vgt.s32 @!p0 v0, $0x0  }
0x17: {  	v0 =	vnsel @!p0 vm0, $0x0, v0  }
0x18: {  	v0 =	vmin.u32 @!p0 v0, $0x1387;
	_ =	sdelay $0x3  }
0x19: {  	s14 =	simm.s32 @!p0 $0x0;
	s13 =	sor.u32 @!p0 $0x20, s13;
	(ifvalue) =	ssetifvalue @!p0 $0x7FFFFFFF;
	vm0 =	vmmov @!p0 $0xffff  }
0x1a: {  	[tilespmem:s13], [sflag:$0x1] =	stream.indirect_vreg.gather @!p0 [hbm4b:s3+s14], $0x1, v0, vm0, $0x4038;
	[tilespmem:$0x40] =	vst v63  }
0x1b: {  	s14 =	simm.s32 @!p0 $0x1  }
0x1c: {  	_ =	swait.ge @!p0 [sflag:s14], $0x10  }
0x1d: {  	s15 =	sshrl.u32 @!p0 s12, $0x3;
	[sflag:s14] =	ssyncset.done @!p0 $0x0  }
0x1e: {  	s12 =	sand.u32 @!p0 $0x7, s12;
	[sflag:s14] =	ssyncadd.s32 @!p0 $0xFFFFFFF0;
	s14 =	sadd.s32 @!p0 s5, s15  }
0x1f: {  	[hbm4b:s14+s12] =	stream.linear.scatter @!p0 [tilespmem:s13], [sflag:$0x3], $0x10, $0x38;
	[tilespmem:$0x40] =	vst v63  }
0x20: {  	s14 =	sadd.s32 $0x100, s11  }
0x21: {  	s9 =	sadd.s32 $0x10, s9;
	p1 =	sgt.s32 s14, $0x1387  }
0x22: {  	s14 =	smov.u32 @p1 s4;
	p1 =	sne.s32 s8, s9  }
.Ltmp0:
0x23: {  	p0 =	slt.u32 s10, $0x2;
	(pc) =	sbr.rel @p1 .LBB2_1-.Ltmp0, $4  }
0x24: {  	s13 =	simm.s32 @!p0 $0x3  }
0x25: {  	_ =	swait.ge @!p0 [sflag:s13], $0x10  }
0x26: {  	s12 =	smov.u32 s11;
	[sflag:s13] =	ssyncset.done @!p0 $0x0  }
0x27: {  	s10 =	sadd.s32 $0x1, s10;
	s11 =	smov.u32 s14;
	[sflag:s13] =	ssyncadd.s32 @!p0 $0xFFFFFFF0  }
0x28: {  	_ =	sfence.sel $0x180000  }
0x29: {  	s2 =	simm.s32 $0x2;
	[bflag:$0x0] =	sbarrier.arrive $0xFFFF  }
0x2a: {  	s30 =	simm.s32 $0x3;
	[sflag:s2] =	ssyncpa.u1 $0x1  }
0x2b: {  	s31 =	simm.s32 $0x1;
	[sflag:s30] =	ssyncpa.u1 $0x1  }
0x2c: {  	[sflag:s31] =	ssyncpa.u1 $0x1  }
0x2d: {  	p0 =	sne.s32 s1, $0x0;
	_ =	strace $0x9000004A  }
0x2e: {  	s0 =	sadd.s32 @!p0 $0x100000, s0;
	[bflag:$0x2] =	sbarrier.arrive $0xFFFF  }
0x2f: {  	[sflag:s0] =	ssyncadd.tile.s32 @!p0 $0x1;
	_ =	shalt  }
.Lfunc_end2:
_tile_overlayer_lowered:
.L_overlay_start_2:
0x30: {  	(tag) =	ssettag $0x2  }
0x31: {  	s0 =	rddreg [dreg:$0x0];
	s2 =	stileid.u32  }
0x32: {  	s1 =	rddreg [dreg:$0x1];
	p0 =	sne.s32 s2, $0x0  }
0x33: {  	s3 =	rddreg [dreg:$0x2];
	[bflag:$0x3] =	sbarrier.arrive $0xFFFF;
	s2 =	simm.s32 @!p0 $0x1C01  }
0x34: {  	[timem:s3], [sflag:s2] =	dma.local @!p0 [hbm:s0], s1  }
0x35: {  	s0 =	simm.s32 @!p0 $0x1  }
0x36: {  	_ =	swait.ge @!p0 [sflag:s0], s1  }
0x37: {  	s1 =	ssub.s32 @!p0 $0x0, s1;
	[sflag:s0] =	ssyncset.done @!p0 $0x0  }
0x38: {  	[sflag:s0] =	ssyncadd.s32 @!p0 s1  }
0x39: {  	[bflag:$0x3] =	sbarrier.arrive $0xFFFF  }
0x3a: {  	_ =	shalt  }

// kernel: gather_offload_async_start.2
scs
__scs_entry_jumppad:
0x0: {  	(pc) =	sbr.rel $0x88, $3  }
0x1: {  	(tag) =	ssettag $0x0;
	lr =	simm.s32 $0x1  }
0x2: {  	[smem:$0x3F9E] =	sst lr;
	_ =	strace $0xD0000000  }
0x3: {  	_ = 	snop  }
0x4: {  	_ = 	snop  }
0x5: {  	_ = 	snop  }
0x6: {  	_ = 	snop  }
0x7: {  	_ = 	snop  }
__scs_overlays_trampoline_lowered:
0x8: {  	[smem:$0x3FAD] =	sst s0  }
0x9: {  	[smem:$0x3FAE] =	sst s1  }
0xa: {  	[smem:$0x3FAF] =	sst s2  }
0xb: {  	[smem:$0x3FB0] =	sst s3  }
0xc: {  	[smem:$0x3FB1] =	sst s4  }
0xd: {  	[smem:$0x3FB2] =	sst s5  }
0xe: {  	[smem:$0x3FB3] =	sst s6  }
0xf: {  	[smem:$0x3FB4] =	sst s7  }
0x10: {  	[smem:$0x3FB5] =	sst s8  }
0x11: {  	[smem:$0x3FB6] =	sst s9;
	s0 =	simm.s32 @!p0 $0x0  }
0x12: {  	s1 =	sld [smem:$0x3F9C];
	s0 =	simm.s32 @p0 $0x1  }
0x13: {  	[smem:$0x3FB7] =	sst s0;
	s0 =	simm.s32 @!p1 $0x0  }
0x14: {  	s2 =	sld [smem:$0x3F9B];
	s0 =	simm.s32 @p1 $0x1  }
0x15: {  	[smem:$0x3FB8] =	sst s0;
	s0 =	simm.s32 @!p2 $0x0  }
0x16: {  	s3 =	sld [smem:$0x3FDB];
	s0 =	simm.s32 @p2 $0x1  }
0x17: {  	s4 =	simm.s32 $0x1BF5;
	[smem:$0x3FBA] =	sst s0  }
0x18: {  	s0 =	sld [smem:$0x3F9D];
	_ =	swait.ge [sflag:s4], $0x0  }
0x19: {  	s7 =	sld [smem:$0x3F9E]  }
0x1a: {  	s8 =	sadd.s32 $0xFFFFE003, lr  }
0x1b: {  	s9 =	sadd.s32 $0xFFFFFEF7, lr;
	s5 =	simm.s32 $0xFFFFFFFF;
	p2 =	slt.u32 s8, $0xFFFFF086  }
0x1c: {  	p1 =	slt.u32 s9, $0xF7A;
	s5 =	simm.s32 @!p2 $0x0  }
0x1d: {  	s5 =	simm.s32 @p1 $0x1;
	p0 =	seq.s32 s7, s2  }
0x1e: {  	s7 =	smul.u32 @!p0 $0xF7A, s2;
	p2 =	seq.s32 @!p0 s5, $0x0  }
0x1f: {  	s9 =	smul.u32 $0xF7A, s1;
	s8 =	simm.s32 @!p0 $0x1BF5;
	p2 =	por !p2, p0  }
0x20: {  	[sflag:s8] =	ssyncset.s32 @!p0 $0xFFFFF086;
	s6 =	sadd.s32 @!p0 s3, s7;
	s7 =	simm.s32 @!p0 $0x108  }
0x21: {  	s3 =	sadd.s32 s3, s9;
	s6 =	sadd.s32 @!p0 $0x88, s6;
	s7 =	simm.s32 @p2 $0x1082  }
0x22: {  	[simem:s7], [sflag:s8] =	dma.local @!p0 [hbm:s6], $0xF7A  }
0x23: {  	s9 =	sor.u32 $0xD0000000, s2;
	s6 =	simm.s32 $0x108;
	_ =	swait.ge @!p0 [sflag:s8], $0x0  }
0x24: {  	s3 =	sadd.s32 $0x88, s3;
	s6 =	simm.s32 @!p1 $0x1082;
	[sflag:s4] =	ssyncset.s32 $0xFFFFF086  }
0x25: {  	[simem:s6], [sflag:s4] =	dma.local [hbm:s3], $0xF7A  }
0x26: {  	[smem:$0x3F9E] =	sst s1;
	(tag) =	ssettag s2;
	_ =	strace s9  }
0x27: {  	s1 =	sld [smem:$0x3FAE]  }
0x28: {  	s2 =	sld [smem:$0x3FAF]  }
0x29: {  	s4 =	sld [smem:$0x3FB1]  }
0x2a: {  	p0 =	seq.s32 s5, $0x0;
	s5 =	sld [smem:$0x3FB2]  }
0x2b: {  	s6 =	sld [smem:$0x3FB3]  }
0x2c: {  	s7 =	sld [smem:$0x3FB4]  }
0x2d: {  	s3 =	simm.s32 $0x108;
	s8 =	sld [smem:$0x3FB5]  }
0x2e: {  	s3 =	simm.s32 @!p0 $0x1082;
	s9 =	sld [smem:$0x3FB6]  }
0x2f: {  	lr =	sadd.s32 s0, s3;
	s0 =	sld [smem:$0x3FAD]  }
0x30: {  	s3 =	sld [smem:$0x3FB0]  }
0x31: {  	[smem:$0x3FB9] =	sst s10  }
0x32: {  	s10 =	sld [smem:$0x3FB7];
	_ =	sdelay $0x3  }
0x33: {  	p0 =	seq.s32 s10, $0x1;
	s10 =	sld [smem:$0x3FB9];
	_ =	sdelay $0x3  }
0x34: {  	[smem:$0x3FB9] =	sst s10  }
0x35: {  	s10 =	sld [smem:$0x3FB8];
	_ =	sdelay $0x3  }
0x36: {  	p1 =	seq.s32 s10, $0x1;
	s10 =	sld [smem:$0x3FB9];
	_ =	sdelay $0x3  }
0x37: {  	[smem:$0x3FB9] =	sst s10  }
0x38: {  	s10 =	sld [smem:$0x3FBA]  }
0x39: {  	_ = 	snop;
	(pc) =	sbr.ind lr, $3  }
0x3a: {  	_ = 	snop  }
0x3b: {  	_ = 	snop  }
0x3c: {  	p2 =	seq.s32 s10, $0x1;
	s10 =	sld [smem:$0x3FB9]  }
0x3d: {  	_ =	shalt  }
0x3e: {  	_ =	shalt  }
0x3f: {  	_ =	shalt  }
0x40: {  	_ =	shalt  }
0x41: {  	_ =	shalt  }
0x42: {  	_ =	shalt  }
0x43: {  	_ =	shalt  }
0x44: {  	_ =	shalt  }
0x45: {  	_ =	shalt  }
0x46: {  	_ =	shalt  }
0x47: {  	_ =	shalt  }
0x48: {  	_ =	shalt  }
0x49: {  	_ =	shalt  }
0x4a: {  	_ =	shalt  }
0x4b: {  	_ =	shalt  }
0x4c: {  	_ =	shalt  }
0x4d: {  	_ =	shalt  }
0x4e: {  	_ =	shalt  }
0x4f: {  	_ =	shalt  }
0x50: {  	_ =	shalt  }
0x51: {  	_ =	shalt  }
0x52: {  	_ =	shalt  }
0x53: {  	_ =	shalt  }
0x54: {  	_ =	shalt  }
0x55: {  	_ =	shalt  }
0x56: {  	_ =	shalt  }
0x57: {  	_ =	shalt  }
0x58: {  	_ =	shalt  }
0x59: {  	_ =	shalt  }
0x5a: {  	_ =	shalt  }
0x5b: {  	_ =	shalt  }
0x5c: {  	_ =	shalt  }
0x5d: {  	_ =	shalt  }
0x5e: {  	_ =	shalt  }
0x5f: {  	_ =	shalt  }
0x60: {  	_ =	shalt  }
0x61: {  	_ =	shalt  }
0x62: {  	_ =	shalt  }
0x63: {  	_ =	shalt  }
0x64: {  	_ =	shalt  }
0x65: {  	_ =	shalt  }
0x66: {  	_ =	shalt  }
0x67: {  	_ =	shalt  }
0x68: {  	_ =	shalt  }
0x69: {  	_ =	shalt  }
0x6a: {  	_ =	shalt  }
0x6b: {  	_ =	shalt  }
0x6c: {  	_ =	shalt  }
0x6d: {  	_ =	shalt  }
0x6e: {  	_ =	shalt  }
0x6f: {  	_ =	shalt  }
0x70: {  	_ =	shalt  }
0x71: {  	_ =	shalt  }
0x72: {  	_ =	shalt  }
0x73: {  	_ =	shalt  }
0x74: {  	_ =	shalt  }
0x75: {  	_ =	shalt  }
0x76: {  	_ =	shalt  }
0x77: {  	_ =	shalt  }
0x78: {  	_ =	shalt  }
0x79: {  	_ =	shalt  }
0x7a: {  	_ =	shalt  }
0x7b: {  	_ =	shalt  }
0x7c: {  	_ =	shalt  }
0x7d: {  	_ =	shalt  }
0x7e: {  	_ =	shalt  }
0x7f: {  	_ =	shalt  }
0x80: {  	_ =	shalt  }
0x81: {  	_ =	shalt  }
0x82: {  	_ =	shalt  }
0x83: {  	_ =	shalt  }
0x84: {  	_ =	shalt  }
0x85: {  	_ =	shalt  }
0x86: {  	_ =	shalt  }
0x87: {  	_ =	shalt  }
.Lfunc_end0:
.L_simem_size_0:
called_computation.3_lowered:
.L_overlay_start_0:
0x88: {  	s0 =	sld [smem:$0x3FD9]  }
0x89: {  	s1 =	sld [smem:$0x3FFE];
	_ =	sdelay $0x3  }
0x8a: {  	s0 =	sadd.s32 s1, s0  }
0x8b: {  	[smem:$0x3FC5] =	sst s0  }
0x8c: {  	_ = 	snop  }
0x8d: {  	s0 =	sld [smem:$0x3FD0];
	(tm) =	ssettm $0x1  }
0x8e: {  	s16 =	sld [smem:$0x3FFB];
	_ =	sdelay $0x3  }
0x8f: {  	_ =	strace s16  }
0x90: {  	s1 =	sld [smem:$0x3FFC];
	_ =	sdelay $0x3  }
0x91: {  	_ =	strace s1  }
0x92: {  	s1 =	sld [smem:$0x3FFD];
	_ =	sdelay $0x3  }
0x93: {  	_ =	strace s1  }
0x94: {  	_ =	strace $0x8FFFFFFF  }
0x95: {  	s17 =	sld [smem:$0x3FDB];
	_ =	sdelay $0x1  }
0x96: {  	s2 =	simm.s32 $_scs_section_size  }
0x97: {  	s3 =	simm.s32 $_size__tile_overlayer_lowered;
	s4 =	simm.s32 $_tile_overlayer_lowered  }
0x98: {  	s20 =	simm.s32 $0x1BFF;
	s19 =	sshll.u32 s4, $0x1;
	s1 =	sadd.s32 s2, s17  }
0x99: {  	s5 =	simm.s32 $0x0;
	s18 =	sshll.u32 s3, $0x1;
	s3 =	sadd.s32 s19, s1  }
0x9a: {  	[timem:s5], [sflag:s20] =	dma.local [hbm:s3], s18  }
0x9b: {  	_ =	swait.ge [sflag:s20], s18  }
0x9c: {  	s2 =	ssub.s32 $0x0, s18;
	[sflag:s20] =	ssyncset.done $0x0  }
0x9d: {  	[sflag:s20] =	ssyncadd.s32 s2;
	_ =	sdelay $0x1  }
0x9e: {  	s21 =	simm.s32 $0x1B8B  }
0x9f: {  	_ =	swait.ge [sflag:s21], $0x1  }
0xa0: {  	[sflag:s21] =	ssyncset.done $0x0  }
0xa1: {  	s23 =	simm.s32 $0x1B8E;
	s22 =	sld [smem:$0x3FFE];
	[sflag:s21] =	ssyncadd.s32 $0xFFFFFFFF  }
0xa2: {  	s24 =	simm.s32 $execute0_lowered;
	[smem:$0x3FD2] =	sst s23  }
0xa3: {  	s3 =	sshll.u32 s24, $0x1;
	_ =	strace $0x80000052;
	[dreg:$0x1] =	wrdreg $0xFFFFFFFF  }
0xa4: {  	s25 =	simm.s32 $_size_execute0_lowered;
	s1 =	sadd.s32 s1, s3;
	[dreg:$0x0] =	wrdreg $0x0  }
0xa5: {  	s3 =	sshll.u32 s25, $0x1;
	[dreg:$0x2] =	wrdreg s1  }
0xa6: {  	[dreg:$0x3] =	wrdreg s3  }
0xa7: {  	[dreg:$0x4] =	wrdreg $0xC0  }
0xa8: {  	_ =	task [dreg:s5], $0x5FFFF  }
0xa9: {  	[dreg:$0x1] =	wrdreg $0xFFFFFFFF  }
0xaa: {  	[dreg:$0x0] =	wrdreg $0x60  }
0xab: {  	[dreg:$0x2] =	wrdreg s22  }
0xac: {  	[dreg:$0x3] =	wrdreg s0  }
0xad: {  	[dreg:$0x4] =	wrdreg $0x9  }
0xae: {  	_ =	task.clear_ibuf [dreg:s5], $0x5FFFF;
	_ =	strace $0x90000052  }
0xaf: {  	s26 =	simm.s32 $0x9;
	_ =	strace $0x80000054  }
0xb0: {  	_ =	swait.ge [sflag:s26], $0x1  }
0xb1: {  	[sflag:s26] =	ssyncadd.s32 $0xFFFFFFFF  }
0xb2: {  	_ =	strace $0x90000054  }
0xb3: {  	_ =	sfence  }
0xb4: {  	s28 =	sld [smem:$0x0];
	_ =	sdelay $0x1  }
0xb5: {  	s29 =	srdreg.scid  }
0xb6: {  	s30 =	sshll.u32 s29, $0xD;
	s31 =	sshrl.u32 s29, $0x2  }
0xb7: {  	s2 =	sand.u32 $0x4000, s30;
	s1 =	sand.u32 $0x1, s29;
	s0 =	sadd.s32 s31, s28  }
0xb8: {  	s1 =	sor.u32 s2, s1;
	s0 =	sshll.u32 s0, $0x11  }
0xb9: {  	s0 =	sor.u32 s0, s1  }
0xba: {  	s0 =	sadd.s32 $0x8F2B, s0  }
0xbb: {  	[sflag:s0] =	ssyncadd.remote.s32 $0x1  }
0xbc: {  	_ =	sfence.sel $0xFFFF  }
0xbd: {  	[dreg:$0x0] =	wrdreg $0xFFFFFFFF;
	(pc) =	sbr.abs _section_cstart, $3  }
0xbe: {  	[dreg:$0x1] =	wrdreg $0xFFFFFFFF  }
0xbf: {  	_ =	task.clear_ibuf [dreg:s5], $0x2FFFF;
	_ =	strace $0x9FFFFFFF  }
0xc0: {  	(tm) =	ssettm $0x7FFFFFFF  }
0xc1: {  	_ =	shalt  }
tec
execute0_lowered:
.L_overlay_start_1:
0x0: {  	(tag) =	ssettag $0x1  }
0x1: {  	s5 =	rddreg [dreg:$0x0]  }
0x2: {  	s2 =	rddreg [dreg:$0x1]  }
0x3: {  	s0 =	rddreg [dreg:$0x2];
	s1 =	stileid.u32;
	_ =	strace $0x80000053  }
0x4: {  	s6 =	simm.s32 $0x1;
	s8 =	simm.s32 $0x2;
	s30 =	simm.s32 $0x3  }
0x5: {  	s12 =	simm.s32 $0x0;
	s9 =	simm.s32 $0x0;
	s4 =	sshll.u32 s1, $0x4  }
0x6: {  	s10 =	simm.s32 $0x0;
	s3 =	sadd.s32 $0x2600, s5;
	s7 =	ssub.s32 $0x1380, s4  }
0x7: {  	s5 =	sadd.s32 $0x2000, s5;
	[sflag:s6] =	ssyncpa.u1 $0x0;
	s6 =	sshrl.u32 s7, $0x8  }
0x8: {  	[sflag:s8] =	ssyncpa.u1 $0x0;
	s11 =	smov.u32 s4;
	s31 =	sshll.u32 s6, $0x4  }
0x9: {  	[sflag:s30] =	ssyncpa.u1 $0x0;
	s7 =	sadd.s32 $0x2, s6;
	s8 =	sadd.s32 $0x30, s31  }
.LBB2_1:
0xa: {  	p0 =	sgt.u32 s10, s6  }
0xb: {  	s13 =	sxor.u32 @!p0 $0xFFFFFFFF, s9;
	s14 =	sshrl.u32 @!p0 s11, $0x3  }
0xc: {  	s15 =	sand.u32 @!p0 $0x7, s11;
	s13 =	sand.u32 @!p0 $0x10, s13;
	s14 =	sadd.s32 @!p0 s2, s14  }
0xd: {  	[tilespmem:s13], [sflag:$0x2] =	stream.linear.gather @!p0 [hbm4b:s14+s15], $0x10, $0x38;
	[tilespmem:$0x40] =	vst v63  }
0xe: {  	p0 =	seq.s32 s9, $0x0  }
0xf: {  	p1 =	sge.u32 @!p0 s10, s7  }
0x10: {  	p0 =	por p1, p0  }
0x11: {  	s13 =	simm.s32 @!p0 $0x2  }
0x12: {  	_ =	swait.ge @!p0 [sflag:s13], $0x10  }
0x13: {  	[sflag:s13] =	ssyncset.done @!p0 $0x0  }
0x14: {  	[sflag:s13] =	ssyncadd.s32 @!p0 $0xFFFFFFF0;
	s13 =	sand.u32 @!p0 $0x10, s9  }
0x15: {  	(ifvalue) =	ssetifvalue @!p0 $0x7FFFFFFF;
	v0 =	vld.msk @!p0 [tilespmem:s13+$0x0 ss:$0x1], $0xffff;
	_ =	sdelay $0x4  }
0x16: {  	vm0 =	vgt.s32 @!p0 v0, $0x0  }
0x17: {  	v0 =	vnsel @!p0 vm0, $0x0, v0  }
0x18: {  	v0 =	vmin.u32 @!p0 v0, $0x18FF;
	_ =	sdelay $0x3  }
0x19: {  	s14 =	simm.s32 @!p0 $0x0;
	s13 =	sor.u32 @!p0 $0x20, s13;
	(ifvalue) =	ssetifvalue @!p0 $0x7FFFFFFF;
	vm0 =	vmmov @!p0 $0xffff  }
0x1a: {  	[tilespmem:s13], [sflag:$0x1] =	stream.indirect_vreg.gather @!p0 [hbm4b:s3+s14], $0x1, v0, vm0, $0x4038;
	[tilespmem:$0x40] =	vst v63  }
0x1b: {  	s14 =	simm.s32 @!p0 $0x1  }
0x1c: {  	_ =	swait.ge @!p0 [sflag:s14], $0x10  }
0x1d: {  	s15 =	sshrl.u32 @!p0 s12, $0x3;
	[sflag:s14] =	ssyncset.done @!p0 $0x0  }
0x1e: {  	s12 =	sand.u32 @!p0 $0x7, s12;
	[sflag:s14] =	ssyncadd.s32 @!p0 $0xFFFFFFF0;
	s14 =	sadd.s32 @!p0 s5, s15  }
0x1f: {  	[hbm4b:s14+s12] =	stream.linear.scatter @!p0 [tilespmem:s13], [sflag:$0x3], $0x10, $0x38;
	[tilespmem:$0x40] =	vst v63  }
0x20: {  	s14 =	sadd.s32 $0x100, s11  }
0x21: {  	s9 =	sadd.s32 $0x10, s9;
	p1 =	sgt.s32 s14, $0x1387  }
0x22: {  	s14 =	smov.u32 @p1 s4;
	p1 =	sne.s32 s8, s9  }
.Ltmp0:
0x23: {  	p0 =	slt.u32 s10, $0x2;
	(pc) =	sbr.rel @p1 .LBB2_1-.Ltmp0, $4  }
0x24: {  	s13 =	simm.s32 @!p0 $0x3  }
0x25: {  	_ =	swait.ge @!p0 [sflag:s13], $0x10  }
0x26: {  	s12 =	smov.u32 s11;
	[sflag:s13] =	ssyncset.done @!p0 $0x0  }
0x27: {  	s10 =	sadd.s32 $0x1, s10;
	s11 =	smov.u32 s14;
	[sflag:s13] =	ssyncadd.s32 @!p0 $0xFFFFFFF0  }
0x28: {  	_ =	sfence.sel $0x180000  }
0x29: {  	s2 =	simm.s32 $0x2;
	[bflag:$0x0] =	sbarrier.arrive $0xFFFF  }
0x2a: {  	s30 =	simm.s32 $0x3;
	[sflag:s2] =	ssyncpa.u1 $0x1  }
0x2b: {  	s31 =	simm.s32 $0x1;
	[sflag:s30] =	ssyncpa.u1 $0x1  }
0x2c: {  	[sflag:s31] =	ssyncpa.u1 $0x1  }
0x2d: {  	p0 =	sne.s32 s1, $0x0;
	_ =	strace $0x90000053  }
0x2e: {  	s0 =	sadd.s32 @!p0 $0x100000, s0;
	[bflag:$0x2] =	sbarrier.arrive $0xFFFF  }
0x2f: {  	[sflag:s0] =	ssyncadd.tile.s32 @!p0 $0x1;
	_ =	shalt  }
.Lfunc_end2:
_tile_overlayer_lowered:
.L_overlay_start_2:
0x30: {  	(tag) =	ssettag $0x2  }
0x31: {  	s0 =	rddreg [dreg:$0x0];
	s2 =	stileid.u32  }
0x32: {  	s1 =	rddreg [dreg:$0x1];
	p0 =	sne.s32 s2, $0x0  }
0x33: {  	s3 =	rddreg [dreg:$0x2];
	[bflag:$0x3] =	sbarrier.arrive $0xFFFF;
	s2 =	simm.s32 @!p0 $0x1C01  }
0x34: {  	[timem:s3], [sflag:s2] =	dma.local @!p0 [hbm:s0], s1  }
0x35: {  	s0 =	simm.s32 @!p0 $0x1  }
0x36: {  	_ =	swait.ge @!p0 [sflag:s0], s1  }
0x37: {  	s1 =	ssub.s32 @!p0 $0x0, s1;
	[sflag:s0] =	ssyncset.done @!p0 $0x0  }
0x38: {  	[sflag:s0] =	ssyncadd.s32 @!p0 s1  }
0x39: {  	[bflag:$0x3] =	sbarrier.arrive $0xFFFF  }
0x3a: {  	_ =	shalt  }

// kernel: gather_offload_async_start
scs
__scs_entry_jumppad:
0x0: {  	(pc) =	sbr.rel $0x88, $3  }
0x1: {  	(tag) =	ssettag $0x0;
	lr =	simm.s32 $0x1  }
0x2: {  	[smem:$0x3F9E] =	sst lr;
	_ =	strace $0xD0000000  }
0x3: {  	_ = 	snop  }
0x4: {  	_ = 	snop  }
0x5: {  	_ = 	snop  }
0x6: {  	_ = 	snop  }
0x7: {  	_ = 	snop  }
__scs_overlays_trampoline_lowered:
0x8: {  	[smem:$0x3FAD] =	sst s0  }
0x9: {  	[smem:$0x3FAE] =	sst s1  }
0xa: {  	[smem:$0x3FAF] =	sst s2  }
0xb: {  	[smem:$0x3FB0] =	sst s3  }
0xc: {  	[smem:$0x3FB1] =	sst s4  }
0xd: {  	[smem:$0x3FB2] =	sst s5  }
0xe: {  	[smem:$0x3FB3] =	sst s6  }
0xf: {  	[smem:$0x3FB4] =	sst s7  }
0x10: {  	[smem:$0x3FB5] =	sst s8  }
0x11: {  	[smem:$0x3FB6] =	sst s9;
	s0 =	simm.s32 @!p0 $0x0  }
0x12: {  	s1 =	sld [smem:$0x3F9C];
	s0 =	simm.s32 @p0 $0x1  }
0x13: {  	[smem:$0x3FB7] =	sst s0;
	s0 =	simm.s32 @!p1 $0x0  }
0x14: {  	s2 =	sld [smem:$0x3F9B];
	s0 =	simm.s32 @p1 $0x1  }
0x15: {  	[smem:$0x3FB8] =	sst s0;
	s0 =	simm.s32 @!p2 $0x0  }
0x16: {  	s3 =	sld [smem:$0x3FDB];
	s0 =	simm.s32 @p2 $0x1  }
0x17: {  	s4 =	simm.s32 $0x1BF5;
	[smem:$0x3FBA] =	sst s0  }
0x18: {  	s0 =	sld [smem:$0x3F9D];
	_ =	swait.ge [sflag:s4], $0x0  }
0x19: {  	s7 =	sld [smem:$0x3F9E]  }
0x1a: {  	s8 =	sadd.s32 $0xFFFFE003, lr  }
0x1b: {  	s9 =	sadd.s32 $0xFFFFFEF7, lr;
	s5 =	simm.s32 $0xFFFFFFFF;
	p2 =	slt.u32 s8, $0xFFFFF086  }
0x1c: {  	p1 =	slt.u32 s9, $0xF7A;
	s5 =	simm.s32 @!p2 $0x0  }
0x1d: {  	s5 =	simm.s32 @p1 $0x1;
	p0 =	seq.s32 s7, s2  }
0x1e: {  	s7 =	smul.u32 @!p0 $0xF7A, s2;
	p2 =	seq.s32 @!p0 s5, $0x0  }
0x1f: {  	s9 =	smul.u32 $0xF7A, s1;
	s8 =	simm.s32 @!p0 $0x1BF5;
	p2 =	por !p2, p0  }
0x20: {  	[sflag:s8] =	ssyncset.s32 @!p0 $0xFFFFF086;
	s6 =	sadd.s32 @!p0 s3, s7;
	s7 =	simm.s32 @!p0 $0x108  }
0x21: {  	s3 =	sadd.s32 s3, s9;
	s6 =	sadd.s32 @!p0 $0x88, s6;
	s7 =	simm.s32 @p2 $0x1082  }
0x22: {  	[simem:s7], [sflag:s8] =	dma.local @!p0 [hbm:s6], $0xF7A  }
0x23: {  	s9 =	sor.u32 $0xD0000000, s2;
	s6 =	simm.s32 $0x108;
	_ =	swait.ge @!p0 [sflag:s8], $0x0  }
0x24: {  	s3 =	sadd.s32 $0x88, s3;
	s6 =	simm.s32 @!p1 $0x1082;
	[sflag:s4] =	ssyncset.s32 $0xFFFFF086  }
0x25: {  	[simem:s6], [sflag:s4] =	dma.local [hbm:s3], $0xF7A  }
0x26: {  	[smem:$0x3F9E] =	sst s1;
	(tag) =	ssettag s2;
	_ =	strace s9  }
0x27: {  	s1 =	sld [smem:$0x3FAE]  }
0x28: {  	s2 =	sld [smem:$0x3FAF]  }
0x29: {  	s4 =	sld [smem:$0x3FB1]  }
0x2a: {  	p0 =	seq.s32 s5, $0x0;
	s5 =	sld [smem:$0x3FB2]  }
0x2b: {  	s6 =	sld [smem:$0x3FB3]  }
0x2c: {  	s7 =	sld [smem:$0x3FB4]  }
0x2d: {  	s3 =	simm.s32 $0x108;
	s8 =	sld [smem:$0x3FB5]  }
0x2e: {  	s3 =	simm.s32 @!p0 $0x1082;
	s9 =	sld [smem:$0x3FB6]  }
0x2f: {  	lr =	sadd.s32 s0, s3;
	s0 =	sld [smem:$0x3FAD]  }
0x30: {  	s3 =	sld [smem:$0x3FB0]  }
0x31: {  	[smem:$0x3FB9] =	sst s10  }
0x32: {  	s10 =	sld [smem:$0x3FB7];
	_ =	sdelay $0x3  }
0x33: {  	p0 =	seq.s32 s10, $0x1;
	s10 =	sld [smem:$0x3FB9];
	_ =	sdelay $0x3  }
0x34: {  	[smem:$0x3FB9] =	sst s10  }
0x35: {  	s10 =	sld [smem:$0x3FB8];
	_ =	sdelay $0x3  }
0x36: {  	p1 =	seq.s32 s10, $0x1;
	s10 =	sld [smem:$0x3FB9];
	_ =	sdelay $0x3  }
0x37: {  	[smem:$0x3FB9] =	sst s10  }
0x38: {  	s10 =	sld [smem:$0x3FBA]  }
0x39: {  	_ = 	snop;
	(pc) =	sbr.ind lr, $3  }
0x3a: {  	_ = 	snop  }
0x3b: {  	_ = 	snop  }
0x3c: {  	p2 =	seq.s32 s10, $0x1;
	s10 =	sld [smem:$0x3FB9]  }
0x3d: {  	_ =	shalt  }
0x3e: {  	_ =	shalt  }
0x3f: {  	_ =	shalt  }
0x40: {  	_ =	shalt  }
0x41: {  	_ =	shalt  }
0x42: {  	_ =	shalt  }
0x43: {  	_ =	shalt  }
0x44: {  	_ =	shalt  }
0x45: {  	_ =	shalt  }
0x46: {  	_ =	shalt  }
0x47: {  	_ =	shalt  }
0x48: {  	_ =	shalt  }
0x49: {  	_ =	shalt  }
0x4a: {  	_ =	shalt  }
0x4b: {  	_ =	shalt  }
0x4c: {  	_ =	shalt  }
0x4d: {  	_ =	shalt  }
0x4e: {  	_ =	shalt  }
0x4f: {  	_ =	shalt  }
0x50: {  	_ =	shalt  }
0x51: {  	_ =	shalt  }
0x52: {  	_ =	shalt  }
0x53: {  	_ =	shalt  }
0x54: {  	_ =	shalt  }
0x55: {  	_ =	shalt  }
0x56: {  	_ =	shalt  }
0x57: {  	_ =	shalt  }
0x58: {  	_ =	shalt  }
0x59: {  	_ =	shalt  }
0x5a: {  	_ =	shalt  }
0x5b: {  	_ =	shalt  }
0x5c: {  	_ =	shalt  }
0x5d: {  	_ =	shalt  }
0x5e: {  	_ =	shalt  }
0x5f: {  	_ =	shalt  }
0x60: {  	_ =	shalt  }
0x61: {  	_ =	shalt  }
0x62: {  	_ =	shalt  }
0x63: {  	_ =	shalt  }
0x64: {  	_ =	shalt  }
0x65: {  	_ =	shalt  }
0x66: {  	_ =	shalt  }
0x67: {  	_ =	shalt  }
0x68: {  	_ =	shalt  }
0x69: {  	_ =	shalt  }
0x6a: {  	_ =	shalt  }
0x6b: {  	_ =	shalt  }
0x6c: {  	_ =	shalt  }
0x6d: {  	_ =	shalt  }
0x6e: {  	_ =	shalt  }
0x6f: {  	_ =	shalt  }
0x70: {  	_ =	shalt  }
0x71: {  	_ =	shalt  }
0x72: {  	_ =	shalt  }
0x73: {  	_ =	shalt  }
0x74: {  	_ =	shalt  }
0x75: {  	_ =	shalt  }
0x76: {  	_ =	shalt  }
0x77: {  	_ =	shalt  }
0x78: {  	_ =	shalt  }
0x79: {  	_ =	shalt  }
0x7a: {  	_ =	shalt  }
0x7b: {  	_ =	shalt  }
0x7c: {  	_ =	shalt  }
0x7d: {  	_ =	shalt  }
0x7e: {  	_ =	shalt  }
0x7f: {  	_ =	shalt  }
0x80: {  	_ =	shalt  }
0x81: {  	_ =	shalt  }
0x82: {  	_ =	shalt  }
0x83: {  	_ =	shalt  }
0x84: {  	_ =	shalt  }
0x85: {  	_ =	shalt  }
0x86: {  	_ =	shalt  }
0x87: {  	_ =	shalt  }
.Lfunc_end0:
.L_simem_size_0:
called_computation.1_lowered:
.L_overlay_start_0:
0x88: {  	s0 =	sld [smem:$0x3FD9]  }
0x89: {  	s1 =	sld [smem:$0x3FFE];
	_ =	sdelay $0x3  }
0x8a: {  	s0 =	sadd.s32 s1, s0  }
0x8b: {  	[smem:$0x3FC5] =	sst s0  }
0x8c: {  	_ = 	snop  }
0x8d: {  	s0 =	sld [smem:$0x3FC7]  }
0x8e: {  	s16 =	sld [smem:$0x3FD0];
	(tm) =	ssettm $0x1  }
0x8f: {  	s2 =	sld [smem:$0x3FFB];
	_ =	sdelay $0x3  }
0x90: {  	_ =	strace s2  }
0x91: {  	s2 =	sld [smem:$0x3FFC];
	_ =	sdelay $0x3  }
0x92: {  	_ =	strace s2  }
0x93: {  	s2 =	sld [smem:$0x3FFD];
	_ =	sdelay $0x3  }
0x94: {  	_ =	strace s2  }
0x95: {  	_ =	strace $0x8FFFFFFF  }
0x96: {  	s17 =	sld [smem:$0x3FDB];
	_ =	sdelay $0x1  }
0x97: {  	s3 =	simm.s32 $_scs_section_size  }
0x98: {  	s4 =	simm.s32 $_size__tile_overlayer_lowered;
	s5 =	simm.s32 $_tile_overlayer_lowered  }
0x99: {  	s20 =	simm.s32 $0x1BFF;
	s19 =	sshll.u32 s5, $0x1;
	s2 =	sadd.s32 s3, s17  }
0x9a: {  	s6 =	simm.s32 $0x0;
	s18 =	sshll.u32 s4, $0x1;
	s4 =	sadd.s32 s19, s2  }
0x9b: {  	[timem:s6], [sflag:s20] =	dma.local [hbm:s4], s18  }
0x9c: {  	_ =	swait.ge [sflag:s20], s18  }
0x9d: {  	s3 =	ssub.s32 $0x0, s18;
	[sflag:s20] =	ssyncset.done $0x0  }
0x9e: {  	[sflag:s20] =	ssyncadd.s32 s3;
	_ =	sdelay $0x1  }
0x9f: {  	s21 =	simm.s32 $0x1B8B  }
0xa0: {  	_ =	swait.ge [sflag:s21], $0x1  }
0xa1: {  	[sflag:s21] =	ssyncset.done $0x0  }
0xa2: {  	s23 =	simm.s32 $0x1B8E;
	s22 =	sld [smem:$0x3FFE];
	[sflag:s21] =	ssyncadd.s32 $0xFFFFFFFF  }
0xa3: {  	s24 =	simm.s32 $execute0_lowered;
	[smem:$0x3FD2] =	sst s23  }
0xa4: {  	s4 =	sshll.u32 s24, $0x1;
	_ =	strace $0x80000046;
	[dreg:$0x1] =	wrdreg $0xFFFFFFFF  }
0xa5: {  	s25 =	simm.s32 $_size_execute0_lowered;
	s2 =	sadd.s32 s2, s4;
	[dreg:$0x0] =	wrdreg $0x0  }
0xa6: {  	s4 =	sshll.u32 s25, $0x1;
	[dreg:$0x2] =	wrdreg s2  }
0xa7: {  	[dreg:$0x3] =	wrdreg s4  }
0xa8: {  	[dreg:$0x4] =	wrdreg $0xC0  }
0xa9: {  	_ =	task [dreg:s6], $0x5FFFF  }
0xaa: {  	[dreg:$0x1] =	wrdreg $0xFFFFFFFF  }
0xab: {  	[dreg:$0x0] =	wrdreg $0x60  }
0xac: {  	[dreg:$0x2] =	wrdreg s0  }
0xad: {  	[dreg:$0x3] =	wrdreg s16  }
0xae: {  	[dreg:$0x4] =	wrdreg s22  }
0xaf: {  	[dreg:$0x5] =	wrdreg $0x9  }
0xb0: {  	_ =	task.clear_ibuf [dreg:s6], $0x6FFFF;
	_ =	strace $0x90000046  }
0xb1: {  	s26 =	simm.s32 $0x9;
	_ =	strace $0x80000048  }
0xb2: {  	_ =	swait.ge [sflag:s26], $0x1  }
0xb3: {  	[sflag:s26] =	ssyncadd.s32 $0xFFFFFFFF  }
0xb4: {  	_ =	strace $0x90000048  }
0xb5: {  	_ =	sfence  }
0xb6: {  	s28 =	sld [smem:$0x0];
	_ =	sdelay $0x1  }
0xb7: {  	s29 =	srdreg.scid  }
0xb8: {  	s30 =	sshll.u32 s29, $0xD;
	s31 =	sshrl.u32 s29, $0x2  }
0xb9: {  	s1 =	sand.u32 $0x1, s29;
	s2 =	sand.u32 $0x4000, s30;
	s0 =	sadd.s32 s31, s28  }
0xba: {  	s1 =	sor.u32 s2, s1;
	s0 =	sshll.u32 s0, $0x11  }
0xbb: {  	s0 =	sor.u32 s0, s1  }
0xbc: {  	s0 =	sadd.s32 $0x8F2B, s0  }
0xbd: {  	[sflag:s0] =	ssyncadd.remote.s32 $0x1  }
0xbe: {  	_ =	sfence.sel $0xFFFF  }
0xbf: {  	[dreg:$0x0] =	wrdreg $0xFFFFFFFF;
	(pc) =	sbr.abs _section_cstart, $3  }
0xc0: {  	[dreg:$0x1] =	wrdreg $0xFFFFFFFF  }
0xc1: {  	_ =	task.clear_ibuf [dreg:s6], $0x2FFFF;
	_ =	strace $0x9FFFFFFF  }
0xc2: {  	(tm) =	ssettm $0x7FFFFFFF  }
0xc3: {  	_ =	shalt  }
tec
execute0_lowered:
.L_overlay_start_1:
0x0: {  	(tag) =	ssettag $0x1  }
0x1: {  	s2 =	rddreg [dreg:$0x0]  }
0x2: {  	s3 =	rddreg [dreg:$0x1]  }
0x3: {  	s5 =	rddreg [dreg:$0x2]  }
0x4: {  	s0 =	rddreg [dreg:$0x3];
	s1 =	stileid.u32  }
0x5: {  	_ =	strace $0x80000047;
	s6 =	simm.s32 $0x1;
	s8 =	simm.s32 $0x2  }
0x6: {  	s30 =	simm.s32 $0x3;
	s12 =	simm.s32 $0x0;
	s4 =	sshll.u32 s1, $0x4  }
0x7: {  	s9 =	simm.s32 $0x0;
	s10 =	simm.s32 $0x0;
	s7 =	ssub.s32 $0x1380, s4  }
0x8: {  	s5 =	sadd.s32 $0x1C00, s5;
	[sflag:s6] =	ssyncpa.u1 $0x0;
	s6 =	sshrl.u32 s7, $0x8  }
0x9: {  	[sflag:s8] =	ssyncpa.u1 $0x0;
	s11 =	smov.u32 s4;
	s31 =	sshll.u32 s6, $0x4  }
0xa: {  	[sflag:s30] =	ssyncpa.u1 $0x0;
	s7 =	sadd.s32 $0x2, s6;
	s8 =	sadd.s32 $0x30, s31  }
.LBB2_1:
0xb: {  	p0 =	sgt.u32 s10, s6  }
0xc: {  	s13 =	sxor.u32 @!p0 $0xFFFFFFFF, s9;
	s14 =	sshrl.u32 @!p0 s11, $0x3  }
0xd: {  	s15 =	sand.u32 @!p0 $0x7, s11;
	s13 =	sand.u32 @!p0 $0x10, s13;
	s14 =	sadd.s32 @!p0 s3, s14  }
0xe: {  	[tilespmem:s13], [sflag:$0x2] =	stream.linear.gather @!p0 [hbm4b:s14+s15], $0x10, $0x38;
	[tilespmem:$0x40] =	vst v63  }
0xf: {  	p0 =	seq.s32 s9, $0x0  }
0x10: {  	p1 =	sge.u32 @!p0 s10, s7  }
0x11: {  	p0 =	por p1, p0  }
0x12: {  	s13 =	simm.s32 @!p0 $0x2  }
0x13: {  	_ =	swait.ge @!p0 [sflag:s13], $0x10  }
0x14: {  	[sflag:s13] =	ssyncset.done @!p0 $0x0  }
0x15: {  	[sflag:s13] =	ssyncadd.s32 @!p0 $0xFFFFFFF0;
	s13 =	sand.u32 @!p0 $0x10, s9  }
0x16: {  	(ifvalue) =	ssetifvalue @!p0 $0x7FFFFFFF;
	v0 =	vld.msk @!p0 [tilespmem:s13+$0x0 ss:$0x1], $0xffff;
	_ =	sdelay $0x4  }
0x17: {  	vm0 =	vgt.s32 @!p0 v0, $0x0  }
0x18: {  	v0 =	vnsel @!p0 vm0, $0x0, v0  }
0x19: {  	v0 =	vmin.u32 @!p0 v0, $0x1387;
	_ =	sdelay $0x3  }
0x1a: {  	s14 =	simm.s32 @!p0 $0x0;
	s13 =	sor.u32 @!p0 $0x20, s13;
	(ifvalue) =	ssetifvalue @!p0 $0x7FFFFFFF;
	vm0 =	vmmov @!p0 $0xffff  }
0x1b: {  	[tilespmem:s13], [sflag:$0x1] =	stream.indirect_vreg.gather @!p0 [hbm4b:s2+s14], $0x1, v0, vm0, $0x4038;
	[tilespmem:$0x40] =	vst v63  }
0x1c: {  	s14 =	simm.s32 @!p0 $0x1  }
0x1d: {  	_ =	swait.ge @!p0 [sflag:s14], $0x10  }
0x1e: {  	s15 =	sshrl.u32 @!p0 s12, $0x3;
	[sflag:s14] =	ssyncset.done @!p0 $0x0  }
0x1f: {  	s12 =	sand.u32 @!p0 $0x7, s12;
	[sflag:s14] =	ssyncadd.s32 @!p0 $0xFFFFFFF0;
	s14 =	sadd.s32 @!p0 s5, s15  }
0x20: {  	[hbm4b:s14+s12] =	stream.linear.scatter @!p0 [tilespmem:s13], [sflag:$0x3], $0x10, $0x38;
	[tilespmem:$0x40] =	vst v63  }
0x21: {  	s14 =	sadd.s32 $0x100, s11  }
0x22: {  	s9 =	sadd.s32 $0x10, s9;
	p1 =	sgt.s32 s14, $0x1387  }
0x23: {  	s14 =	smov.u32 @p1 s4;
	p1 =	sne.s32 s8, s9  }
.Ltmp0:
0x24: {  	p0 =	slt.u32 s10, $0x2;
	(pc) =	sbr.rel @p1 .LBB2_1-.Ltmp0, $4  }
0x25: {  	s13 =	simm.s32 @!p0 $0x3  }
0x26: {  	_ =	swait.ge @!p0 [sflag:s13], $0x10  }
0x27: {  	s12 =	smov.u32 s11;
	[sflag:s13] =	ssyncset.done @!p0 $0x0  }
0x28: {  	s10 =	sadd.s32 $0x1, s10;
	s11 =	smov.u32 s14;
	[sflag:s13] =	ssyncadd.s32 @!p0 $0xFFFFFFF0  }
0x29: {  	_ =	sfence.sel $0x180000  }
0x2a: {  	s2 =	simm.s32 $0x2;
	[bflag:$0x0] =	sbarrier.arrive $0xFFFF  }
0x2b: {  	s30 =	simm.s32 $0x3;
	[sflag:s2] =	ssyncpa.u1 $0x1  }
0x2c: {  	s31 =	simm.s32 $0x1;
	[sflag:s30] =	ssyncpa.u1 $0x1  }
0x2d: {  	[sflag:s31] =	ssyncpa.u1 $0x1  }
0x2e: {  	p0 =	sne.s32 s1, $0x0;
	_ =	strace $0x90000047  }
0x2f: {  	s0 =	sadd.s32 @!p0 $0x100000, s0;
	[bflag:$0x2] =	sbarrier.arrive $0xFFFF  }
0x30: {  	[sflag:s0] =	ssyncadd.tile.s32 @!p0 $0x1;
	_ =	shalt  }
.Lfunc_end2:
_tile_overlayer_lowered:
.L_overlay_start_2:
0x31: {  	(tag) =	ssettag $0x2  }
0x32: {  	s0 =	rddreg [dreg:$0x0];
	s2 =	stileid.u32  }
0x33: {  	s1 =	rddreg [dreg:$0x1];
	p0 =	sne.s32 s2, $0x0  }
0x34: {  	s3 =	rddreg [dreg:$0x2];
	[bflag:$0x3] =	sbarrier.arrive $0xFFFF;
	s2 =	simm.s32 @!p0 $0x1C01  }
0x35: {  	[timem:s3], [sflag:s2] =	dma.local @!p0 [hbm:s0], s1  }
0x36: {  	s0 =	simm.s32 @!p0 $0x1  }
0x37: {  	_ =	swait.ge @!p0 [sflag:s0], s1  }
0x38: {  	s1 =	ssub.s32 @!p0 $0x0, s1;
	[sflag:s0] =	ssyncset.done @!p0 $0x0  }
0x39: {  	[sflag:s0] =	ssyncadd.s32 @!p0 s1  }
0x3a: {  	[bflag:$0x3] =	sbarrier.arrive $0xFFFF  }
0x3b: {  	_ =	shalt  }

// kernel: kernel.3.cloned.1.call-start
scs
__scs_entry_jumppad:
0x0: {  	(pc) =	sbr.rel $0x88, $3  }
0x1: {  	(tag) =	ssettag $0x0;
	lr =	simm.s32 $0x1  }
0x2: {  	[smem:$0x3F9E] =	sst lr;
	_ =	strace $0xD0000000  }
0x3: {  	_ = 	snop  }
0x4: {  	_ = 	snop  }
0x5: {  	_ = 	snop  }
0x6: {  	_ = 	snop  }
0x7: {  	_ = 	snop  }
__scs_overlays_trampoline_lowered:
0x8: {  	[smem:$0x3FAD] =	sst s0  }
0x9: {  	[smem:$0x3FAE] =	sst s1  }
0xa: {  	[smem:$0x3FAF] =	sst s2  }
0xb: {  	[smem:$0x3FB0] =	sst s3  }
0xc: {  	[smem:$0x3FB1] =	sst s4  }
0xd: {  	[smem:$0x3FB2] =	sst s5  }
0xe: {  	[smem:$0x3FB3] =	sst s6  }
0xf: {  	[smem:$0x3FB4] =	sst s7  }
0x10: {  	[smem:$0x3FB5] =	sst s8  }
0x11: {  	[smem:$0x3FB6] =	sst s9;
	s0 =	simm.s32 @!p0 $0x0  }
0x12: {  	s1 =	sld [smem:$0x3F9C];
	s0 =	simm.s32 @p0 $0x1  }
0x13: {  	[smem:$0x3FB7] =	sst s0;
	s0 =	simm.s32 @!p1 $0x0  }
0x14: {  	s2 =	sld [smem:$0x3F9B];
	s0 =	simm.s32 @p1 $0x1  }
0x15: {  	[smem:$0x3FB8] =	sst s0;
	s0 =	simm.s32 @!p2 $0x0  }
0x16: {  	s3 =	sld [smem:$0x3FDB];
	s0 =	simm.s32 @p2 $0x1  }
0x17: {  	s4 =	simm.s32 $0x1BF5;
	[smem:$0x3FBA] =	sst s0  }
0x18: {  	s0 =	sld [smem:$0x3F9D];
	_ =	swait.ge [sflag:s4], $0x0  }
0x19: {  	s7 =	sld [smem:$0x3F9E]  }
0x1a: {  	s8 =	sadd.s32 $0xFFFFE003, lr  }
0x1b: {  	s9 =	sadd.s32 $0xFFFFFEF7, lr;
	s5 =	simm.s32 $0xFFFFFFFF;
	p2 =	slt.u32 s8, $0xFFFFF086  }
0x1c: {  	p1 =	slt.u32 s9, $0xF7A;
	s5 =	simm.s32 @!p2 $0x0  }
0x1d: {  	s5 =	simm.s32 @p1 $0x1;
	p0 =	seq.s32 s7, s2  }
0x1e: {  	s7 =	smul.u32 @!p0 $0xF7A, s2;
	p2 =	seq.s32 @!p0 s5, $0x0  }
0x1f: {  	s9 =	smul.u32 $0xF7A, s1;
	s8 =	simm.s32 @!p0 $0x1BF5;
	p2 =	por !p2, p0  }
0x20: {  	[sflag:s8] =	ssyncset.s32 @!p0 $0xFFFFF086;
	s6 =	sadd.s32 @!p0 s3, s7;
	s7 =	simm.s32 @!p0 $0x108  }
0x21: {  	s3 =	sadd.s32 s3, s9;
	s6 =	sadd.s32 @!p0 $0x88, s6;
	s7 =	simm.s32 @p2 $0x1082  }
0x22: {  	[simem:s7], [sflag:s8] =	dma.local @!p0 [hbm:s6], $0xF7A  }
0x23: {  	s9 =	sor.u32 $0xD0000000, s2;
	s6 =	simm.s32 $0x108;
	_ =	swait.ge @!p0 [sflag:s8], $0x0  }
0x24: {  	s3 =	sadd.s32 $0x88, s3;
	s6 =	simm.s32 @!p1 $0x1082;
	[sflag:s4] =	ssyncset.s32 $0xFFFFF086  }
0x25: {  	[simem:s6], [sflag:s4] =	dma.local [hbm:s3], $0xF7A  }
0x26: {  	[smem:$0x3F9E] =	sst s1;
	(tag) =	ssettag s2;
	_ =	strace s9  }
0x27: {  	s1 =	sld [smem:$0x3FAE]  }
0x28: {  	s2 =	sld [smem:$0x3FAF]  }
0x29: {  	s4 =	sld [smem:$0x3FB1]  }
0x2a: {  	p0 =	seq.s32 s5, $0x0;
	s5 =	sld [smem:$0x3FB2]  }
0x2b: {  	s6 =	sld [smem:$0x3FB3]  }
0x2c: {  	s7 =	sld [smem:$0x3FB4]  }
0x2d: {  	s3 =	simm.s32 $0x108;
	s8 =	sld [smem:$0x3FB5]  }
0x2e: {  	s3 =	simm.s32 @!p0 $0x1082;
	s9 =	sld [smem:$0x3FB6]  }
0x2f: {  	lr =	sadd.s32 s0, s3;
	s0 =	sld [smem:$0x3FAD]  }
0x30: {  	s3 =	sld [smem:$0x3FB0]  }
0x31: {  	[smem:$0x3FB9] =	sst s10  }
0x32: {  	s10 =	sld [smem:$0x3FB7];
	_ =	sdelay $0x3  }
0x33: {  	p0 =	seq.s32 s10, $0x1;
	s10 =	sld [smem:$0x3FB9];
	_ =	sdelay $0x3  }
0x34: {  	[smem:$0x3FB9] =	sst s10  }
0x35: {  	s10 =	sld [smem:$0x3FB8];
	_ =	sdelay $0x3  }
0x36: {  	p1 =	seq.s32 s10, $0x1;
	s10 =	sld [smem:$0x3FB9];
	_ =	sdelay $0x3  }
0x37: {  	[smem:$0x3FB9] =	sst s10  }
0x38: {  	s10 =	sld [smem:$0x3FBA]  }
0x39: {  	_ = 	snop;
	(pc) =	sbr.ind lr, $3  }
0x3a: {  	_ = 	snop  }
0x3b: {  	_ = 	snop  }
0x3c: {  	p2 =	seq.s32 s10, $0x1;
	s10 =	sld [smem:$0x3FB9]  }
0x3d: {  	_ =	shalt  }
0x3e: {  	_ =	shalt  }
0x3f: {  	_ =	shalt  }
0x40: {  	_ =	shalt  }
0x41: {  	_ =	shalt  }
0x42: {  	_ =	shalt  }
0x43: {  	_ =	shalt  }
0x44: {  	_ =	shalt  }
0x45: {  	_ =	shalt  }
0x46: {  	_ =	shalt  }
0x47: {  	_ =	shalt  }
0x48: {  	_ =	shalt  }
0x49: {  	_ =	shalt  }
0x4a: {  	_ =	shalt  }
0x4b: {  	_ =	shalt  }
0x4c: {  	_ =	shalt  }
0x4d: {  	_ =	shalt  }
0x4e: {  	_ =	shalt  }
0x4f: {  	_ =	shalt  }
0x50: {  	_ =	shalt  }
0x51: {  	_ =	shalt  }
0x52: {  	_ =	shalt  }
0x53: {  	_ =	shalt  }
0x54: {  	_ =	shalt  }
0x55: {  	_ =	shalt  }
0x56: {  	_ =	shalt  }
0x57: {  	_ =	shalt  }
0x58: {  	_ =	shalt  }
0x59: {  	_ =	shalt  }
0x5a: {  	_ =	shalt  }
0x5b: {  	_ =	shalt  }
0x5c: {  	_ =	shalt  }
0x5d: {  	_ =	shalt  }
0x5e: {  	_ =	shalt  }
0x5f: {  	_ =	shalt  }
0x60: {  	_ =	shalt  }
0x61: {  	_ =	shalt  }
0x62: {  	_ =	shalt  }
0x63: {  	_ =	shalt  }
0x64: {  	_ =	shalt  }
0x65: {  	_ =	shalt  }
0x66: {  	_ =	shalt  }
0x67: {  	_ =	shalt  }
0x68: {  	_ =	shalt  }
0x69: {  	_ =	shalt  }
0x6a: {  	_ =	shalt  }
0x6b: {  	_ =	shalt  }
0x6c: {  	_ =	shalt  }
0x6d: {  	_ =	shalt  }
0x6e: {  	_ =	shalt  }
0x6f: {  	_ =	shalt  }
0x70: {  	_ =	shalt  }
0x71: {  	_ =	shalt  }
0x72: {  	_ =	shalt  }
0x73: {  	_ =	shalt  }
0x74: {  	_ =	shalt  }
0x75: {  	_ =	shalt  }
0x76: {  	_ =	shalt  }
0x77: {  	_ =	shalt  }
0x78: {  	_ =	shalt  }
0x79: {  	_ =	shalt  }
0x7a: {  	_ =	shalt  }
0x7b: {  	_ =	shalt  }
0x7c: {  	_ =	shalt  }
0x7d: {  	_ =	shalt  }
0x7e: {  	_ =	shalt  }
0x7f: {  	_ =	shalt  }
0x80: {  	_ =	shalt  }
0x81: {  	_ =	shalt  }
0x82: {  	_ =	shalt  }
0x83: {  	_ =	shalt  }
0x84: {  	_ =	shalt  }
0x85: {  	_ =	shalt  }
0x86: {  	_ =	shalt  }
0x87: {  	_ =	shalt  }
.Lfunc_end0:
.L_simem_size_0:
called_computation.4_lowered:
.L_overlay_start_0:
0x88: {  	s0 =	sld [smem:$0x3FD9]  }
0x89: {  	s1 =	sld [smem:$0x3FFE];
	_ =	sdelay $0x3  }
0x8a: {  	s0 =	sadd.s32 s1, s0  }
0x8b: {  	[smem:$0x3FC5] =	sst s0  }
0x8c: {  	_ = 	snop  }
0x8d: {  	(tm) =	ssettm $0x1  }
0x8e: {  	s15 =	sld [smem:$0x3FFB];
	_ =	sdelay $0x3  }
0x8f: {  	_ =	strace s15  }
0x90: {  	s0 =	sld [smem:$0x3FFC];
	_ =	sdelay $0x3  }
0x91: {  	_ =	strace s0  }
0x92: {  	s0 =	sld [smem:$0x3FFD];
	_ =	sdelay $0x3  }
0x93: {  	_ =	strace s0  }
0x94: {  	_ =	strace $0x8FFFFFFF  }
0x95: {  	s16 =	sld [smem:$0x3FDB];
	_ =	sdelay $0x1  }
0x96: {  	s17 =	simm.s32 $_scs_section_size  }
0x97: {  	s2 =	simm.s32 $_size__tile_overlayer_lowered;
	s3 =	simm.s32 $_tile_overlayer_lowered  }
0x98: {  	s20 =	simm.s32 $0x1BFF;
	s19 =	sshll.u32 s3, $0x1;
	s0 =	sadd.s32 s17, s16  }
0x99: {  	s4 =	simm.s32 $0x0;
	s18 =	sshll.u32 s2, $0x1;
	s2 =	sadd.s32 s19, s0  }
0x9a: {  	[timem:s4], [sflag:s20] =	dma.local [hbm:s2], s18  }
0x9b: {  	_ =	swait.ge [sflag:s20], s18  }
0x9c: {  	s1 =	ssub.s32 $0x0, s18;
	[sflag:s20] =	ssyncset.done $0x0  }
0x9d: {  	[sflag:s20] =	ssyncadd.s32 s1;
	_ =	sdelay $0x1  }
0x9e: {  	s21 =	simm.s32 $0x1B8B  }
0x9f: {  	_ =	swait.ge [sflag:s21], $0x1  }
0xa0: {  	[sflag:s21] =	ssyncset.done $0x0  }
0xa1: {  	s23 =	simm.s32 $0x1B8E;
	s22 =	sld [smem:$0x3FFE];
	[sflag:s21] =	ssyncadd.s32 $0xFFFFFFFF  }
0xa2: {  	s24 =	simm.s32 $execute0_lowered;
	[smem:$0x3FD2] =	sst s23  }
0xa3: {  	s2 =	sshll.u32 s24, $0x1;
	_ =	strace $0x8000004F;
	[dreg:$0x1] =	wrdreg $0xFFFFFFFF  }
0xa4: {  	s25 =	simm.s32 $_size_execute0_lowered;
	s0 =	sadd.s32 s0, s2;
	[dreg:$0x0] =	wrdreg $0x0  }
0xa5: {  	s2 =	sshll.u32 s25, $0x1;
	[dreg:$0x2] =	wrdreg s0  }
0xa6: {  	[dreg:$0x3] =	wrdreg s2  }
0xa7: {  	[dreg:$0x4] =	wrdreg $0xC0  }
0xa8: {  	_ =	task [dreg:s4], $0x5FFFF  }
0xa9: {  	[dreg:$0x1] =	wrdreg $0xFFFFFFFF  }
0xaa: {  	[dreg:$0x0] =	wrdreg $0x60  }
0xab: {  	[dreg:$0x2] =	wrdreg s22  }
0xac: {  	[dreg:$0x3] =	wrdreg $0xA  }
0xad: {  	_ =	task.clear_ibuf [dreg:s4], $0x4FFFF;
	_ =	strace $0x9000004F  }
0xae: {  	s26 =	simm.s32 $0xA;
	_ =	strace $0x80000051  }
0xaf: {  	_ =	swait.ge [sflag:s26], $0x1  }
0xb0: {  	[sflag:s26] =	ssyncadd.s32 $0xFFFFFFFF  }
0xb1: {  	_ =	strace $0x90000051  }
0xb2: {  	_ =	sfence  }
0xb3: {  	s28 =	sld [smem:$0x0];
	_ =	sdelay $0x1  }
0xb4: {  	s29 =	srdreg.scid  }
0xb5: {  	s30 =	sshll.u32 s29, $0xD;
	s31 =	sshrl.u32 s29, $0x2  }
0xb6: {  	s1 =	sand.u32 $0x1, s29;
	s2 =	sand.u32 $0x4000, s30;
	s0 =	sadd.s32 s31, s28  }
0xb7: {  	s1 =	sor.u32 s2, s1;
	s0 =	sshll.u32 s0, $0x11  }
0xb8: {  	s0 =	sor.u32 s0, s1  }
0xb9: {  	s0 =	sadd.s32 $0x8F2B, s0  }
0xba: {  	[sflag:s0] =	ssyncadd.remote.s32 $0x1  }
0xbb: {  	_ =	sfence.sel $0xFFFF  }
0xbc: {  	[dreg:$0x0] =	wrdreg $0xFFFFFFFF;
	(pc) =	sbr.abs _section_cstart, $3  }
0xbd: {  	[dreg:$0x1] =	wrdreg $0xFFFFFFFF  }
0xbe: {  	_ =	task.clear_ibuf [dreg:s4], $0x2FFFF;
	_ =	strace $0x9FFFFFFF  }
0xbf: {  	(tm) =	ssettm $0x7FFFFFFF  }
tec
execute0_lowered:
.L_overlay_start_1:
0x0: {  	(tag) =	ssettag $0x1  }
0x1: {  	s0 =	rddreg [dreg:$0x0];
	s4 =	simm.s32 $0x0  }
0x2: {  	s2 =	simm.s32 $0x7B00;
	[smem:$0x7FF] =	sst s4  }
0x3: {  	s6 =	simm.s32 $0x2;
	s1 =	sadd.s32 $0x2200, s0;
	_ =	strace $0x80000050  }
0x4: {  	[tilespmem:s2], [sflag:$0x2] =	stream.linear.gather [hbm4b:s1+s4], $0x1480, $0x38;
	[tilespmem:$0x9180] =	vst v63  }
0x5: {  	_ =	swait.ge [sflag:s6], $0x1480  }
0x6: {  	[sflag:s6] =	ssyncset.done $0x0  }
0x7: {  	s28 =	simm.s32 $0x8F80;
	s26 =	sadd.s32 $0x800, s0;
	[sflag:s6] =	ssyncadd.s32 $0xFFFFEB80  }
0x8: {  	[tilespmem:s28], [sflag:$0x2] =	stream.linear.gather [hbm4b:s26+s4], $0x80, $0x38;
	[tilespmem:$0x9180] =	vst v63  }
0x9: {  	_ =	swait.ge [sflag:s6], $0x80  }
0xa: {  	[sflag:s6] =	ssyncset.done $0x0  }
0xb: {  	s29 =	simm.s32 $0x9000;
	[sflag:s6] =	ssyncadd.s32 $0xFFFFFF80  }
0xc: {  	[tilespmem:s29], [sflag:$0x2] =	stream.linear.gather [hbm4b:s0+s4], $0x80, $0x38;
	[tilespmem:$0x9180] =	vst v63  }
0xd: {  	s31 =	simm.s32 $0x9080;
	s9 =	simm.s32 $0x1;
	_ =	swait.ge [sflag:s6], $0x80  }
0xe: {  	s10 =	simm.s32 $0x80;
	s3 =	sadd.s32 $0x1800, s0;
	[sflag:s6] =	ssyncset.done $0x0  }
.Ltmp0:
0xf: {  	s30 =	sadd.s32 $0x600, s0;
	[sflag:s6] =	ssyncadd.s32 $0xFFFFFF80;
	(pc) =	sbr.rel .LBB2_1-.Ltmp0, $4  }
0x10: {  	[tilespmem:s31], [sflag:$0x2] =	stream.linear.gather [hbm4b:s30+s4], $0x80, $0x38;
	[tilespmem:$0x9180] =	vst v63  }
0x11: {  	s5 =	sadd.s32 $0x1000, s0;
	s7 =	sadd.s32 $0xC00, s0;
	_ =	swait.ge [sflag:s6], $0x80  }
0x12: {  	s4 =	sadd.s32 $0x1400, s0;
	s0 =	sadd.s32 $0x2600, s0;
	[sflag:s6] =	ssyncset.done $0x0  }
0x13: {  	v0 =	vimm.f32 $0.0e+00;
	v1 =	vlaneseq.u32;
	v2 =	vimm.s32 $0x0;
	[dreg:$0x2] =	wrdreg s0;
	s0 =	simm.s32 $0x0;
	[sflag:s6] =	ssyncadd.s32 $0xFFFFFF80  }
.LBB2_19:
0x14: {  	s0 =	rddreg [dreg:$0x3]  }
0x15: {  	s0 =	sadd.s32 $0x1, s0  }
0x16: {  	p0 =	sne.s32 s0, $0x5  }
.Ltmp1:
0x17: {  	_ = 	snop;
	(pc) =	sbr.rel @!p0 .LBB2_20-.Ltmp1, $1  }
0x18: {  	_ =	sdelay $0x3  }
.LBB2_1:
0x19: {  	s21 =	sshll.u32 s0, $0x4;
	s1 =	stileid.u32  }
0x1a: {  	s1 =	sor.u32 s1, s21  }
0x1b: {  	v3 =	vld [tilespmem:s1+$0x8F80]  }
0x1c: {  	v4 =	vld [tilespmem:s1+$0x9000];
	_ =	sdelay $0x3  }
0x1d: {  	(v2sf) =	vpush v3, $0x0  }
0x1e: {  	(v2sf) =	vpush v4, $0x0;
	_ =	sdelay $0xd  }
0x1f: {  	[dreg:$0x3] =	wrdreg s0;
	s8 =	simm.s32 $0x1;
	s12 =	spop (v2sf)  }
0x20: {  	s0 =	spop (v2sf);
	s23 =	sand.u32 $0x7, s12;
	p4 =	slt.s32 s12, $0x1  }
0x21: {  	s24 =	sshra.s32 s12, $0x1F;
	s22 =	sadd.s32 $0xF, s0;
	p2 =	sne.s32 s23, $0x0  }
0x22: {  	v3 =	vld [tilespmem:s1+$0x9080];
	s25 =	sshrl.u32 s24, $0x1D;
	s2 =	sshra.s32 s22, $0x1F;
	s6 =	sand.u32 $0xF, s22  }
0x23: {  	p0 =	slt.s32 s22, $0x1;
	p1 =	sne.s32 s6, $0x0;
	s2 =	sshrl.u32 s2, $0x1C  }
0x24: {  	s6 =	simm.s32 $0x1;
	p0 =	por !p0, !p1;
	p1 =	por !p4, !p2  }
0x25: {  	s1 =	sadd.s32 s2, s22;
	s2 =	sadd.s32 s25, s12;
	p1 =	por !p1, !p1  }
0x26: {  	p0 =	por !p0, !p0;
	s2 =	sshra.s32 s2, $0x3;
	s6 =	simm.s32 @!p1 $0x0  }
0x27: {  	(v2sf) =	vpush v3, $0x0;
	s11 =	sshra.s32 s1, $0x4;
	s8 =	simm.s32 @!p0 $0x0;
	s1 =	ssub.s32 s2, s6  }
0x28: {  	s26 =	ssub.s32 s11, s8;
	s2 =	sshll.u32 s1, $0x3  }
0x29: {  	s6 =	sshll.u32 s26, $0x4;
	s2 =	ssub.s32 s12, s2  }
0x2a: {  	s2 =	sadd.s32 s6, s2  }
0x2b: {  	s2 =	sadd.s32 $0x7F, s2  }
0x2c: {  	s28 =	sand.u32 $0x7F, s2  }
0x2d: {  	s29 =	sshra.s32 s2, $0x1F;
	p5 =	slt.s32 s2, $0x1;
	p6 =	sne.s32 s28, $0x0  }
0x2e: {  	[dreg:$0x6] =	wrdreg s6;
	s30 =	sshrl.u32 s29, $0x19;
	p0 =	por !p5, !p6  }
0x2f: {  	s6 =	simm.s32 $0x1;
	s2 =	sadd.s32 s30, s2;
	p0 =	por !p0, !p0  }
0x30: {  	s2 =	sshra.s32 s2, $0x7;
	s6 =	simm.s32 @!p0 $0x0  }
0x31: {  	s6 =	ssub.s32 s2, s6  }
0x32: {  	p0 =	slt.s32 s6, $0x1  }
.Ltmp2:
0x33: {  	_ = 	snop;
	(pc) =	sbr.rel @p0 .LBB2_5-.Ltmp2, $4  }
0x34: {  	_ = 	snop  }
0x35: {  	[dreg:$0x4] =	wrdreg s12  }
0x36: {  	[dreg:$0x5] =	wrdreg s26;
	s31 =	spop (v2sf)  }
0x37: {  	[dreg:$0x7] =	wrdreg s31  }
0x38: {  	s1 =	sshll.u32 s1, $0x5  }
0x39: {  	s8 =	sshra.s32 s1, $0x2  }
0x3a: {  	s12 =	sadd.s32 $0x7B00, s8  }
0x3b: {  	[tilespmem:s8], [sflag:$0x1] =	stream.indirect.gather [hbm4b:s3+s10], $0x1, s12, s10, $0xb8;
	[tilespmem:$0x9180] =	vst v63  }
0x3c: {  	_ =	swait.ge [sflag:s9], $0x80  }
0x3d: {  	[sflag:s9] =	ssyncset.done $0x0  }
0x3e: {  	s11 =	sadd.s32 $0x1480, s8;
	[sflag:s9] =	ssyncadd.s32 $0xFFFFFF80  }
0x3f: {  	[tilespmem:s11], [sflag:$0x1] =	stream.indirect.gather [hbm4b:s4+s10], $0x1, s12, s10, $0xb8;
	[tilespmem:$0x9180] =	vst v63  }
0x40: {  	_ =	swait.ge [sflag:s9], $0x80  }
0x41: {  	[sflag:s9] =	ssyncset.done $0x0  }
0x42: {  	s2 =	sadd.s32 $0x2900, s8;
	[sflag:s9] =	ssyncadd.s32 $0xFFFFFF80  }
0x43: {  	[tilespmem:s2], [sflag:$0x1] =	stream.indirect.gather [hbm4b:s5+s10], $0x1, s12, s10, $0xb8;
	[tilespmem:$0x9180] =	vst v63  }
0x44: {  	p0 =	seq.s32 s6, $0x1;
	_ =	swait.ge [sflag:s9], $0x80  }
.Ltmp3:
0x45: {  	[sflag:s9] =	ssyncset.done $0x0;
	(pc) =	sbr.rel @p0 .LBB2_4-.Ltmp3, $4  }
0x46: {  	s1 =	sadd.s32 $0x3D80, s8;
	[sflag:s9] =	ssyncadd.s32 $0xFFFFFF80  }
0x47: {  	[tilespmem:s1], [sflag:$0x1] =	stream.indirect.gather [hbm4b:s7+s10], $0x1, s12, s10, $0xb8;
	[tilespmem:$0x9180] =	vst v63  }
0x48: {  	s6 =	sadd.s32 $0xFFFFFFFF, s6;
	s8 =	sadd.s32 $0x80, s8;
	_ =	swait.ge [sflag:s9], $0x80  }
0x49: {  	s11 =	sadd.s32 $0x80, s11;
	s12 =	sadd.s32 $0x80, s12;
	[sflag:s9] =	ssyncset.done $0x0  }
.LBB2_3:
0x4a: {  	[sflag:s9] =	ssyncadd.s32 $0xFFFFFF80;
	s1 =	sadd.s32 $0x80, s1;
	s2 =	sadd.s32 $0x80, s2  }
0x4b: {  	[tilespmem:s8], [sflag:$0x1] =	stream.indirect.gather [hbm4b:s3+s10], $0x1, s12, s10, $0xb8;
	[tilespmem:$0x9180] =	vst v63  }
0x4c: {  	p0 =	seq.s32 s6, $0x1;
	s6 =	sadd.s32 $0xFFFFFFFF, s6;
	_ =	swait.ge [sflag:s9], $0x80  }
0x4d: {  	[sflag:s9] =	ssyncset.done $0x0  }
0x4e: {  	[sflag:s9] =	ssyncadd.s32 $0xFFFFFF80  }
0x4f: {  	[tilespmem:s11], [sflag:$0x1] =	stream.indirect.gather [hbm4b:s4+s10], $0x1, s12, s10, $0xb8;
	[tilespmem:$0x9180] =	vst v63  }
0x50: {  	_ =	swait.ge [sflag:s9], $0x80  }
0x51: {  	[sflag:s9] =	ssyncset.done $0x0  }
0x52: {  	[sflag:s9] =	ssyncadd.s32 $0xFFFFFF80  }
0x53: {  	[tilespmem:s2], [sflag:$0x1] =	stream.indirect.gather [hbm4b:s5+s10], $0x1, s12, s10, $0xb8;
	[tilespmem:$0x9180] =	vst v63  }
0x54: {  	_ =	swait.ge [sflag:s9], $0x80  }
.Ltmp4:
0x55: {  	[sflag:s9] =	ssyncset.done $0x0;
	(pc) =	sbr.rel @!p0 .LBB2_3-.Ltmp4, $4  }
0x56: {  	[sflag:s9] =	ssyncadd.s32 $0xFFFFFF80  }
0x57: {  	[tilespmem:s1], [sflag:$0x1] =	stream.indirect.gather [hbm4b:s7+s10], $0x1, s12, s10, $0xb8;
	[tilespmem:$0x9180] =	vst v63  }
0x58: {  	s8 =	sadd.s32 $0x80, s8;
	_ =	swait.ge [sflag:s9], $0x80  }
0x59: {  	s11 =	sadd.s32 $0x80, s11;
	s12 =	sadd.s32 $0x80, s12;
	[sflag:s9] =	ssyncset.done $0x0  }
.LBB2_4:
0x5a: {  	[sflag:s9] =	ssyncadd.s32 $0xFFFFFF80  }
.LBB2_5:
0x5b: {  	s1 =	rddreg [dreg:$0x5]  }
0x5c: {  	p0 =	slt.s32 s1, $0x1  }
.Ltmp5:
0x5d: {  	_ = 	snop;
	(pc) =	sbr.rel @p0 .LBB2_19-.Ltmp5, $1  }
0x5e: {  	_ =	sdelay $0x3  }
0x5f: {  	s2 =	rddreg [dreg:$0x4]  }
0x60: {  	s13 =	rddreg [dreg:$0x5]  }
0x61: {  	s1 =	sshll.u32 s2, $0x2;
	p1 =	sne.s32 s13, $0x1  }
.Ltmp6:
0x62: {  	s1 =	sshra.s32 s1, $0x2;
	(pc) =	sbr.rel @!p1 .LBB2_7-.Ltmp6, $4  }
0x63: {  	s12 =	sadd.s32 $0x2900, s1;
	v3 =	vld [tilespmem:s1+$0x0]  }
0x64: {  	s6 =	rddreg [dreg:$0x6];
	s8 =	sadd.s32 $0x3D80, s1;
	v4 =	vld [tilespmem:s12+$0x0]  }
0x65: {  	p0 =	por $0x0, $0x0;
	s17 =	sadd.s32 s2, s6;
	s2 =	sadd.s32 $0x1480, s1;
	v5 =	vld [tilespmem:s8+$0x0]  }
0x66: {  	s18 =	sadd.s32 $0xFFFFFFFF, s13;
	s11 =	sadd.s32 $0x5200, s1;
	s6 =	sadd.s32 $0x6680, s1;
	v6 =	vld [tilespmem:s2+$0x0]  }
0x67: {  	_ =	sdelay $0x3  }
0x68: {  	v3 =	vsub.f32 v4, v3;
	v4 =	vsub.f32 v5, v6;
	_ =	sdelay $0x1  }
0x69: {  	v3 =	vmax.f32 v3, $0.0e+00;
	v4 =	vmax.f32 v4, $0.0e+00  }
0x6a: {  	v3 =	vmul.f32 v4, v3  }
0x6b: {  	v4 =	vmov s0  }
0x6c: {  	vm1 =	vgt.s32 v4, v1;
	vm0 =	vgt.f32 v3, $0.0e+00  }
0x6d: {  	vm0 =	vmand vm1, vm0  }
0x6e: {  	p1 =	sne.s32 s18, $0x1;
	[tilespmem:s11+$0x0] =	vst v3;
	v3 =	vsel vm0, $0x3F800000, v0  }
.Ltmp7:
0x6f: {  	s13 =	sadd.s32 $0x10, s1;
	[tilespmem:s6+$0x0] =	vst v3;
	(pc) =	sbr.rel @!p1 .LBB2_9-.Ltmp7, $4  }
0x70: {  	s14 =	sadd.s32 $0x10, s12;
	v3 =	vld [tilespmem:s13+$0x0]  }
0x71: {  	s15 =	sadd.s32 $0x10, s8;
	v4 =	vld [tilespmem:s14+$0x0]  }
0x72: {  	s16 =	sadd.s32 $0x10, s2;
	s18 =	sadd.s32 $0xFFFFFFFF, s18;
	p0 =	por $0x1, $0x1;
	v5 =	vld [tilespmem:s15+$0x0]  }
0x73: {  	s2 =	smov.u32 s0;
	s12 =	smov.u32 s11;
	s8 =	smov.u32 s6;
	v6 =	vld [tilespmem:s16+$0x0]  }
.LBB2_10:
0x74: {  	p1 =	sne.s32 s18, $0x1;
	_ =	sdelay $0x3  }
0x75: {  	v3 =	vsub.f32 v4, v3;
	v4 =	vsub.f32 v5, v6;
	_ =	sdelay $0x1  }
0x76: {  	v3 =	vmax.f32 v3, $0.0e+00;
	v4 =	vmax.f32 v4, $0.0e+00  }
0x77: {  	s2 =	sadd.s32 $0xFFFFFFF0, s2;
	v3 =	vmul.f32 v4, v3  }
0x78: {  	s12 =	sadd.s32 $0x10, s12;
	v4 =	vmov s2  }
0x79: {  	vm1 =	vgt.s32 v4, v1;
	[tilespmem:s12+$0x0] =	vst v3;
	vm0 =	vgt.f32 v3, $0.0e+00  }
0x7a: {  	vm0 =	vmand vm1, vm0  }
0x7b: {  	s8 =	sadd.s32 $0x10, s8;
	v3 =	vsel vm0, $0x3F800000, v0  }
.Ltmp8:
0x7c: {  	s13 =	sadd.s32 $0x10, s13;
	[tilespmem:s8+$0x0] =	vst v3;
	(pc) =	sbr.rel @p1 .LBB2_10-.Ltmp8, $4  }
0x7d: {  	s14 =	sadd.s32 $0x10, s14;
	v3 =	vld [tilespmem:s13+$0x0]  }
0x7e: {  	s15 =	sadd.s32 $0x10, s15;
	v4 =	vld [tilespmem:s14+$0x0]  }
0x7f: {  	s16 =	sadd.s32 $0x10, s16;
	v5 =	vld [tilespmem:s15+$0x0]  }
0x80: {  	s18 =	sadd.s32 $0xFFFFFFFF, s18;
	v6 =	vld [tilespmem:s16+$0x0]  }
.LBB2_11:
0x81: {  	_ =	sdelay $0x3  }
0x82: {  	v3 =	vsub.f32 v4, v3;
	v4 =	vsub.f32 v5, v6  }
0x83: {  	s2 =	sadd.s32 @p0 $0xFFFFFFF0, s2;
	s12 =	sadd.s32 @p0 $0x10, s12  }
0x84: {  	s24 =	rddreg [dreg:$0x6];
	s19 =	sadd.s32 $0x6690, s1;
	s0 =	smov.u32 @p0 s2;
	v3 =	vmax.f32 v3, $0.0e+00;
	v4 =	vmax.f32 v4, $0.0e+00  }
0x85: {  	s20 =	sadd.s32 $0x5210, s1;
	s21 =	sadd.s32 $0x3D90, s1;
	s22 =	sadd.s32 $0x2910, s1;
	v3 =	vmul.f32 v4, v3;
	v4 =	vmov s0  }
.Ltmp9:
0x86: {  	s23 =	sadd.s32 $0x1490, s1;
	s26 =	simm.s32 $0x10;
	vm1 =	vgt.s32 v4, v1;
	v4 =	vmov s1;
	(pc) =	sbr.rel .LBB2_12-.Ltmp9, $4  }
0x87: {  	s28 =	simm.s32 $0x1490;
	s29 =	simm.s32 $0x2910;
	s30 =	simm.s32 $0x3D90;
	vm0 =	vgt.f32 v3, $0.0e+00  }
0x88: {  	s31 =	simm.s32 $0x5210;
	s11 =	smov.u32 @p0 s12;
	s2 =	sadd.s32 @p0 $0x10, s8;
	vm0 =	vmand vm1, vm0  }
0x89: {  	s13 =	simm.s32 $0x6690;
	s25 =	rddreg [dreg:$0x4];
	s6 =	smov.u32 @p0 s2;
	[tilespmem:s11+$0x0] =	vst v3;
	v3 =	vsel vm0, $0x3F800000, v0  }
0x8a: {  	s8 =	simm.s32 $0x0;
	s2 =	sadd.s32 $0xFFFFFFFF, s24;
	s24 =	sadd.s32 $0x10, s1;
	[tilespmem:s6+$0x0] =	vst v3;
	v3 =	vmov s25  }
.LBB2_18:
0x8b: {  	v5 =	vld [tilespmem:s6+$0x6680];
	_ =	sdelay $0x1  }
0x8c: {  	s0 =	rddreg [dreg:$0x7]  }
0x8d: {  	s8 =	rddreg [dreg:$0x9]  }
0x8e: {  	s0 =	sadd.s32 s0, s8  }
0x8f: {  	s0 =	sshll.u32 s0, $0x1;
	vm0 =	vgt.f32 v5, $0.0e+00  }
0x90: {  	s1 =	rddreg [dreg:$0x2];
	s15 =	simm.s32 $0x0;
	s0 =	sand.u32 $0x1FFFFFFE, s0;
	v5 =	vsel vm0, $0x1, v2  }
0x91: {  	s2 =	simm.s32 $0x9100;
	s16 =	simm.s32 $0x2;
	s0 =	sadd.s32 s1, s0;
	[tilespmem:$0x9100] =	vst v5  }
0x92: {  	[hbm4b:s0+s15] =	stream.linear.scatter [tilespmem:s2], [sflag:$0x2], $0x10, $0x38;
	[tilespmem:$0x9180] =	vst v63  }
0x93: {  	_ =	swait.ge [sflag:s16], $0x10  }
0x94: {  	s8 =	sadd.s32 $0x1, s8;
	s25 =	rddreg [dreg:$0x5]  }
0x95: {  	s26 =	sadd.s32 $0x10, s26;
	s28 =	sadd.s32 $0x10, s28;
	p0 =	sne.s32 s8, s25  }
.Ltmp10:
0x96: {  	s29 =	sadd.s32 $0x10, s29;
	s30 =	sadd.s32 $0x10, s30;
	(pc) =	sbr.rel @!p0 .LBB2_19-.Ltmp10, $4  }
0x97: {  	s31 =	sadd.s32 $0x10, s31;
	s13 =	sadd.s32 $0x10, s13;
	s19 =	sadd.s32 $0x10, s19  }
0x98: {  	s20 =	sadd.s32 $0x10, s20;
	s21 =	sadd.s32 $0x10, s21;
	s22 =	sadd.s32 $0x10, s22  }
0x99: {  	s23 =	sadd.s32 $0x10, s23;
	[sflag:s16] =	ssyncset.done $0x0;
	s18 =	rddreg [dreg:$0x8]  }
0x9a: {  	s24 =	sadd.s32 $0x10, s24;
	[sflag:s16] =	ssyncadd.s32 $0xFFFFFFF0;
	s2 =	sadd.s32 $0xFFFFFFF0, s18  }
.LBB2_12:
0x9b: {  	_ = 	snop  }
0x9c: {  	s16 =	sshll.u32 s2, $0x2  }
0x9d: {  	[dreg:$0x8] =	wrdreg s2;
	s2 =	sand.u32 $0xFFFFFF80, s16  }
0x9e: {  	s0 =	sshll.u32 s8, $0x4;
	s6 =	rddreg [dreg:$0x4];
	s2 =	sshra.s32 s2, $0x2  }
.Ltmp11:
0x9f: {  	s18 =	rddreg [dreg:$0x6];
	v5 =	vld.idx.msk [tilespmem:v3+s0+$0x0 ss:$0x1], $0xffff;
	s1 =	sxor.u32 $0xFFFFFFFF, s0;
	v11 =	vmov s2;
	(pc) =	sbr.rel .LBB2_13-.Ltmp11, $4  }
0xa0: {  	s6 =	sadd.s32 s6, s0;
	v6 =	vld.idx.msk [tilespmem:v3+s0+$0x1480 ss:$0x1], $0xffff;
	s1 =	sadd.s32 s1, s18  }
0xa1: {  	v7 =	vld.idx.msk [tilespmem:v3+s0+$0x2900 ss:$0x1], $0xffff;
	s12 =	sadd.s32 $0x10, s6;
	s1 =	sand.u32 $0xFFFFFFE0, s1  }
0xa2: {  	[dreg:$0x9] =	wrdreg s8;
	v8 =	vld.idx.msk [tilespmem:v3+s0+$0x3D80 ss:$0x1], $0xffff;
	s25 =	sadd.s32 $0x6680, s6;
	s1 =	sadd.s32 s12, s1  }
0xa3: {  	s11 =	simm.s32 $0x0;
	v9 =	vld.idx.msk [tilespmem:v3+s0+$0x5200 ss:$0x1], $0xffff;
	v10 =	vmov s25;
	p0 =	sge.s32 s12, s1;
	p1 =	sge.s32 s1, s17  }
.LBB2_17:
0xa4: {  	s11 =	sadd.s32 $0x1, s11  }
0xa5: {  	p2 =	sne.s32 s11, $0x10  }
.Ltmp12:
0xa6: {  	_ = 	snop;
	(pc) =	sbr.rel @!p2 .LBB2_18-.Ltmp12, $1  }
0xa7: {  	_ =	sdelay $0x3  }
.LBB2_13:
0xa8: {  	_ =	sdelay $0x3  }
0xa9: {  	v12 =	vld.idx.msk [tilespmem:v10+s11+$0x0 ss:$0x1], $0xffff;
	_ =	sdelay $0x4  }
0xaa: {  	(v2sf) =	vpush v12, $0x0;
	_ =	sdelay $0xe  }
0xab: {  	s0 =	spop (v2sf)  }
0xac: {  	p2 =	sgt.f32 s0, $0.0e+00  }
.Ltmp13:
0xad: {  	_ = 	snop;
	(pc) =	sbr.rel @!p2 .LBB2_17-.Ltmp13, $1  }
0xae: {  	_ =	sdelay $0x3  }
0xaf: {  	v16 =	vld [tilespmem:s6+$0x0]  }
0xb0: {  	v17 =	vld [tilespmem:s6+$0x1480]  }
0xb1: {  	v18 =	vld [tilespmem:s6+$0x2900]  }
0xb2: {  	v19 =	vld [tilespmem:s6+$0x3D80]  }
0xb3: {  	v20 =	vmov s11  }
0xb4: {  	v12 =	vperm.xlane v5, v20;
	v13 =	vperm.xlane v6, v20  }
0xb5: {  	v14 =	vperm.xlane v7, v20;
	v15 =	vperm.xlane v8, v20  }
0xb6: {  	v21 =	vld [tilespmem:s6+$0x5200];
	v16 =	vmax.f32 v16, v12  }
0xb7: {  	v17 =	vmax.f32 v17, v13;
	v18 =	vmin.f32 v18, v14;
	v19 =	vmin.f32 v19, v15  }
0xb8: {  	v18 =	vsub.f32 v18, v16;
	v17 =	vsub.f32 v19, v17  }
0xb9: {  	v16 =	vperm.xlane v9, v20  }
0xba: {  	v18 =	vmax.f32 v18, $0.0e+00;
	v17 =	vmax.f32 v17, $0.0e+00  }
0xbb: {  	v17 =	vmul.f32 v17, v18;
	v18 =	vadd.f32 v21, v16;
	_ =	sdelay $0x1  }
0xbc: {  	v18 =	vsub.f32 v18, v17  }
0xbd: {  	v19 =	vld [tilespmem:s6+$0x6680]  }
0xbe: {  	v18 =	vmul.f32 $5.000000000e-01, v18  }
.Ltmp14:
0xbf: {  	_ = 	snop;
	(pc) =	sbr.rel @p0 .LBB2_15-.Ltmp14, $4  }
0xc0: {  	vm0 =	vlt.u32 v20, v1;
	vm1 =	vgt.f32 v17, v18  }
0xc1: {  	vm0 =	vmand vm0, vm1  }
0xc2: {  	v17 =	vsel vm0, $0x0, v19  }
0xc3: {  	[tilespmem:s6+$0x6680] =	vst v17  }
0xc4: {  	_ =	sdelay $0x3  }
0xc5: {  	v17 =	vld.idx.msk [tilespmem:v4+s26+$0x10 ss:$0x1], $0xffff  }
0xc6: {  	v18 =	vld.idx.msk [tilespmem:v4+s28+$0x10 ss:$0x1], $0xffff  }
0xc7: {  	v19 =	vld.idx.msk [tilespmem:v4+s29+$0x10 ss:$0x1], $0xffff  }
0xc8: {  	v23 =	vld.idx.msk [tilespmem:v4+s30+$0x10 ss:$0x1], $0xffff  }
0xc9: {  	v24 =	vld.idx.msk [tilespmem:v4+s28+$0x0 ss:$0x1], $0xffff;
	s0 =	sadd.s32 $0x20, s12  }
0xca: {  	v28 =	vld.idx.msk [tilespmem:v4+s29+$0x0 ss:$0x1], $0xffff;
	p3 =	slt.s32 s0, s1  }
.Ltmp15:
0xcb: {  	v22 =	vld.idx.msk [tilespmem:v4+s30+$0x0 ss:$0x1], $0xffff;
	(pc) =	sbr.rel @!p3 .LBB2_22-.Ltmp15, $4  }
0xcc: {  	v20 =	vld.idx.msk [tilespmem:v4+s31+$0x10 ss:$0x1], $0xffff  }
0xcd: {  	v21 =	vld.idx.msk [tilespmem:v4+s26+$0x0 ss:$0x1], $0xffff;
	v17 =	vmax.f32 v17, v12;
	v27 =	vmax.f32 v18, v13  }
0xce: {  	v18 =	vld.idx.msk [tilespmem:v4+s31+$0x0 ss:$0x1], $0xffff;
	v19 =	vmin.f32 v19, v14;
	v23 =	vmin.f32 v23, v15;
	v25 =	vmax.f32 v24, v13  }
0xcf: {  	s15 =	sadd.s32 $0x20, s26;
	p2 =	por $0x0, $0x0;
	v24 =	vmin.f32 v28, v14;
	v26 =	vsub.f32 v19, v17;
	v27 =	vsub.f32 v23, v27;
	v17 =	vld.idx.msk [tilespmem:v4+s13+$0x10 ss:$0x1], $0xffff  }
0xd0: {  	_ =	sdelay $0x3  }
0xd1: {  	v23 =	vld.idx.msk [tilespmem:v4+s15+$0x10 ss:$0x1], $0xffff;
	s8 =	sadd.s32 $0x20, s28  }
0xd2: {  	s16 =	sadd.s32 $0x20, s29;
	v19 =	vmax.f32 v26, $0.0e+00;
	v26 =	vmax.f32 v27, $0.0e+00;
	v27 =	vld.idx.msk [tilespmem:v4+s8+$0x10 ss:$0x1], $0xffff  }
0xd3: {  	v22 =	vmin.f32 v22, v15;
	s14 =	sadd.s32 $0x20, s30;
	v28 =	vld.idx.msk [tilespmem:v4+s16+$0x10 ss:$0x1], $0xffff;
	v26 =	vmul.f32 v26, v19;
	v19 =	vadd.f32 v20, v16  }
0xd4: {  	v20 =	vsub.f32 v22, v25;
	v21 =	vmax.f32 v21, v12;
	v25 =	vld.idx.msk [tilespmem:v4+s14+$0x10 ss:$0x1], $0xffff  }
0xd5: {  	v21 =	vsub.f32 v24, v21;
	v24 =	vld.idx.msk [tilespmem:v4+s8+$0x0 ss:$0x1], $0xffff;
	v19 =	vsub.f32 v19, v26  }
0xd6: {  	s18 =	sadd.s32 $0x20, s0;
	v29 =	vld.idx.msk [tilespmem:v4+s16+$0x0 ss:$0x1], $0xffff  }
0xd7: {  	s2 =	sadd.s32 $0x20, s31;
	p3 =	slt.s32 s18, s1;
	v22 =	vld.idx.msk [tilespmem:v4+s14+$0x0 ss:$0x1], $0xffff;
	v31 =	vadd.f32 v18, v16;
	v30 =	vmul.f32 $5.000000000e-01, v19  }
.Ltmp16:
0xd8: {  	v18 =	vld.idx.msk [tilespmem:v4+s2+$0x0 ss:$0x1], $0xffff;
	v20 =	vmax.f32 v20, $0.0e+00;
	v21 =	vmax.f32 v21, $0.0e+00;
	v23 =	vmax.f32 v23, v12;
	(pc) =	sbr.rel @!p3 .LBB2_24-.Ltmp16, $4  }
0xd9: {  	v19 =	vmul.f32 v20, v21;
	v20 =	vld.idx.msk [tilespmem:v4+s2+$0x10 ss:$0x1], $0xffff;
	v27 =	vmax.f32 v27, v13;
	vm0 =	vgt.f32 v26, v30  }
0xda: {  	v21 =	vld.idx.msk [tilespmem:v4+s15+$0x0 ss:$0x1], $0xffff;
	v26 =	vmin.f32 v28, v14;
	v28 =	vmin.f32 v25, v15;
	v25 =	vmax.f32 v24, v13  }
0xdb: {  	s0 =	sadd.s32 $0x20, s13;
	v17 =	vsel vm0, $0x0, v17;
	v26 =	vsub.f32 v26, v23;
	v23 =	vld.idx.msk [tilespmem:v4+s13+$0x0 ss:$0x1], $0xffff;
	v27 =	vsub.f32 v28, v27  }
0xdc: {  	s25 =	sadd.s32 $0x20, s15;
	p2 =	por $0x1, $0x1;
	s15 =	smov.u32 s13;
	v24 =	vmin.f32 v29, v14;
	v28 =	vsub.f32 v31, v19;
	[tilespmem:v4+s13+$0x10 ss:$0x1] =	vst.idx.msk $0xffff, v17;
	v17 =	vld.idx.msk [tilespmem:v4+s0+$0x10 ss:$0x1], $0xffff  }
.LBB2_25:
0xdd: {  	v29 =	vld.idx.msk [tilespmem:v4+s25+$0x10 ss:$0x1], $0xffff;
	v22 =	vmin.f32 v22, v15;
	v26 =	vmax.f32 v26, $0.0e+00;
	v27 =	vmax.f32 v27, $0.0e+00;
	s8 =	sadd.s32 $0x20, s8  }
0xde: {  	v20 =	vadd.f32 v20, v16;
	s16 =	sadd.s32 $0x20, s16;
	v30 =	vld.idx.msk [tilespmem:v4+s8+$0x10 ss:$0x1], $0xffff;
	v22 =	vsub.f32 v22, v25;
	v25 =	vmul.f32 v27, v26  }
0xdf: {  	s14 =	sadd.s32 $0x20, s14;
	v21 =	vmax.f32 v21, v12;
	v27 =	vmul.f32 $5.000000000e-01, v28;
	v26 =	vld.idx.msk [tilespmem:v4+s16+$0x10 ss:$0x1], $0xffff  }
0xe0: {  	s18 =	sadd.s32 $0x20, s18;
	v21 =	vsub.f32 v24, v21;
	v28 =	vld.idx.msk [tilespmem:v4+s14+$0x10 ss:$0x1], $0xffff;
	v24 =	vmax.f32 v22, $0.0e+00;
	v20 =	vsub.f32 v20, v25  }
0xe1: {  	p3 =	slt.s32 s18, s1;
	v32 =	vadd.f32 v18, v16;
	vm0 =	vgt.f32 v19, v27;
	v31 =	vld.idx.msk [tilespmem:v4+s8+$0x0 ss:$0x1], $0xffff  }
0xe2: {  	v18 =	vmax.f32 v21, $0.0e+00;
	v33 =	vld.idx.msk [tilespmem:v4+s16+$0x0 ss:$0x1], $0xffff;
	v21 =	vmul.f32 $5.000000000e-01, v20;
	v20 =	vsel vm0, $0x0, v23  }
0xe3: {  	s2 =	sadd.s32 $0x20, s2;
	v19 =	vmul.f32 v24, v18;
	v22 =	vld.idx.msk [tilespmem:v4+s14+$0x0 ss:$0x1], $0xffff;
	[tilespmem:v4+s15+$0x0 ss:$0x1] =	vst.idx.msk $0xffff, v20;
	s15 =	smov.u32 s0  }
.Ltmp17:
0xe4: {  	v20 =	vld.idx.msk [tilespmem:v4+s2+$0x10 ss:$0x1], $0xffff;
	vm0 =	vgt.f32 v25, v21;
	(pc) =	sbr.rel @p3 .LBB2_25-.Ltmp17, $4  }
0xe5: {  	v23 =	vmax.f32 v29, v12;
	v24 =	vmax.f32 v30, v13;
	v21 =	vld.idx.msk [tilespmem:v4+s25+$0x0 ss:$0x1], $0xffff;
	v17 =	vsel vm0, $0x0, v17  }
0xe6: {  	v26 =	vmin.f32 v26, v14;
	v27 =	vmin.f32 v28, v15;
	v18 =	vld.idx.msk [tilespmem:v4+s2+$0x0 ss:$0x1], $0xffff;
	[tilespmem:v4+s0+$0x10 ss:$0x1] =	vst.idx.msk $0xffff, v17  }
0xe7: {  	v26 =	vsub.f32 v26, v23;
	v25 =	vmax.f32 v31, v13;
	v27 =	vsub.f32 v27, v24;
	s0 =	sadd.s32 $0x20, s0;
	v23 =	vld.idx.msk [tilespmem:v4+s15+$0x0 ss:$0x1], $0xffff  }
0xe8: {  	s25 =	sadd.s32 $0x20, s25;
	v28 =	vsub.f32 v32, v19;
	v24 =	vmin.f32 v33, v14;
	v17 =	vld.idx.msk [tilespmem:v4+s0+$0x10 ss:$0x1], $0xffff  }
.LBB2_26:
0xe9: {  	_ = 	snop  }
0xea: {  	v22 =	vmin.f32 v22, v15;
	v21 =	vmax.f32 v21, v12  }
0xeb: {  	v22 =	vsub.f32 v22, v25;
	v21 =	vsub.f32 v24, v21  }
0xec: {  	v26 =	vmax.f32 v26, $0.0e+00;
	v27 =	vmax.f32 v27, $0.0e+00;
	v20 =	vadd.f32 v20, v16  }
0xed: {  	v62 =	vmul.f32 v27, v26;
	v22 =	vmax.f32 v22, $0.0e+00;
	v21 =	vmax.f32 v21, $0.0e+00  }
0xee: {  	v18 =	vadd.f32 v18, v16;
	v21 =	vmul.f32 v22, v21  }
0xef: {  	v20 =	vsub.f32 v20, v62  }
0xf0: {  	v63 =	vld.idx.msk [tilespmem:v4+s0+$0x0 ss:$0x1], $0xffff;
	v22 =	vmul.f32 @p2 $5.000000000e-01, v28;
	v18 =	vsub.f32 v18, v21  }
0xf1: {  	v20 =	vmul.f32 $5.000000000e-01, v20  }
0xf2: {  	vm0 =	vgt.f32 @p2 v19, v22;
	v18 =	vmul.f32 $5.000000000e-01, v18  }
0xf3: {  	vm14 =	vgt.f32 v62, v20;
	v19 =	vsel @p2 vm0, $0x0, v23  }
0xf4: {  	v17 =	vsel vm14, $0x0, v17;
	[tilespmem:v4+s15+$0x0 ss:$0x1] =	vst.idx.msk @p2 $0xffff, v19;
	vm15 =	vgt.f32 v21, v18  }
0xf5: {  	[tilespmem:v4+s0+$0x10 ss:$0x1] =	vst.idx.msk $0xffff, v17;
	v17 =	vsel vm15, $0x0, v63  }
0xf6: {  	[tilespmem:v4+s0+$0x0 ss:$0x1] =	vst.idx.msk $0xffff, v17  }
.LBB2_15:
.Ltmp18:
0xf7: {  	(pc) =	sbr.rel @p1 .LBB2_17-.Ltmp18, $4  }
0xf8: {  	_ = 	snop  }
0xf9: {  	s0 =	smov.u32 s24  }
0xfa: {  	s2 =	smov.u32 s23;
	s8 =	smov.u32 s22;
	s14 =	smov.u32 s21  }
0xfb: {  	s15 =	smov.u32 s20;
	s16 =	smov.u32 s19;
	s18 =	smov.u32 s1  }
.LBB2_16:
0xfc: {  	v17 =	vld.idx.msk [tilespmem:v11+s0+$0x0 ss:$0x1], $0xffff  }
0xfd: {  	v18 =	vld.idx.msk [tilespmem:v11+s2+$0x0 ss:$0x1], $0xffff  }
0xfe: {  	v19 =	vld.idx.msk [tilespmem:v11+s8+$0x0 ss:$0x1], $0xffff  }
0xff: {  	v20 =	vld.idx.msk [tilespmem:v11+s14+$0x0 ss:$0x1], $0xffff;
	_ =	sdelay $0x3  }
0x100: {  	v21 =	vld.idx.msk [tilespmem:v11+s15+$0x0 ss:$0x1], $0xffff;
	v17 =	vmax.f32 v17, v12  }
0x101: {  	v18 =	vmax.f32 v18, v13;
	v19 =	vmin.f32 v19, v14;
	v20 =	vmin.f32 v20, v15  }
0x102: {  	v17 =	vsub.f32 v19, v17;
	v18 =	vsub.f32 v20, v18;
	_ =	sdelay $0x1  }
0x103: {  	v17 =	vmax.f32 v17, $0.0e+00;
	v18 =	vmax.f32 v18, $0.0e+00  }
0x104: {  	v17 =	vmul.f32 v18, v17;
	v18 =	vadd.f32 v21, v16;
	_ =	sdelay $0x1  }
0x105: {  	s18 =	sadd.s32 $0x10, s18;
	v19 =	vld.idx.msk [tilespmem:v11+s16+$0x0 ss:$0x1], $0xffff;
	v18 =	vsub.f32 v18, v17  }
0x106: {  	p2 =	slt.s32 s18, s17  }
.Ltmp19:
0x107: {  	v18 =	vmul.f32 $5.000000000e-01, v18;
	(pc) =	sbr.rel @p2 .LBB2_16-.Ltmp19, $4  }
0x108: {  	_ = 	snop  }
0x109: {  	vm0 =	vgt.f32 v17, v18  }
0x10a: {  	s15 =	sadd.s32 $0x10, s15;
	s14 =	sadd.s32 $0x10, s14;
	s8 =	sadd.s32 $0x10, s8;
	v17 =	vsel vm0, $0x0, v19  }
0x10b: {  	s2 =	sadd.s32 $0x10, s2;
	s0 =	sadd.s32 $0x10, s0;
	[tilespmem:v11+s16+$0x0 ss:$0x1] =	vst.idx.msk $0xffff, v17;
	s16 =	sadd.s32 $0x10, s16  }
.Ltmp20:
0x10c: {  	_ = 	snop;
	(pc) =	sbr.rel .LBB2_17-.Ltmp20, $1  }
0x10d: {  	_ =	sdelay $0x3  }
.LBB2_22:
.Ltmp21:
0x10e: {  	(pc) =	sbr.rel .LBB2_26-.Ltmp21, $2  }
0x10f: {  	_ =	sdelay $0x2  }
0x110: {  	s0 =	smov.u32 s13  }
.LBB2_24:
.Ltmp22:
0x111: {  	(pc) =	sbr.rel .LBB2_26-.Ltmp22, $2  }
0x112: {  	_ =	sdelay $0x2  }
0x113: {  	s15 =	smov.u32 s13  }
.LBB2_7:
.Ltmp23:
0x114: {  	(pc) =	sbr.rel .LBB2_11-.Ltmp23, $2  }
0x115: {  	_ =	sdelay $0x2  }
0x116: {  	s2 =	smov.u32 s0;
	s12 =	smov.u32 s11;
	s8 =	smov.u32 s6  }
.LBB2_9:
.Ltmp24:
0x117: {  	(pc) =	sbr.rel .LBB2_11-.Ltmp24, $2  }
0x118: {  	_ =	sdelay $0x2  }
0x119: {  	s2 =	smov.u32 s0;
	s12 =	smov.u32 s11;
	s8 =	smov.u32 s6  }
.LBB2_20:
0x11a: {  	_ =	sfence.sel $0x180000  }
0x11b: {  	[bflag:$0x0] =	sbarrier.arrive $0xFFFF  }
0x11c: {  	_ =	strace $0x90000050  }
0x11d: {  	s0 =	stileid.u32;
	[bflag:$0x2] =	sbarrier.arrive $0xFFFF  }
0x11e: {  	p0 =	sne.s32 s0, $0x0;
	s0 =	rddreg [dreg:$0x1]  }
0x11f: {  	s0 =	sadd.s32 @!p0 $0x100000, s0  }
0x120: {  	[sflag:s0] =	ssyncadd.tile.s32 @!p0 $0x1;
	_ =	shalt  }
.Lfunc_end2:
_tile_overlayer_lowered:
.L_overlay_start_2:
0x121: {  	(tag) =	ssettag $0x2  }
0x122: {  	s0 =	rddreg [dreg:$0x0];
	s2 =	stileid.u32  }
0x123: {  	s1 =	rddreg [dreg:$0x1];
	p0 =	sne.s32 s2, $0x0  }
0x124: {  	s3 =	rddreg [dreg:$0x2];
	[bflag:$0x3] =	sbarrier.arrive $0xFFFF;
	s2 =	simm.s32 @!p0 $0x1C02  }
0x125: {  	[timem:s3], [sflag:s2] =	dma.local @!p0 [hbm:s0], s1  }
0x126: {  	s0 =	simm.s32 @!p0 $0x2  }
0x127: {  	_ =	swait.ge @!p0 [sflag:s0], s1  }
0x128: {  	s1 =	ssub.s32 @!p0 $0x0, s1;
	[sflag:s0] =	ssyncset.done @!p0 $0x0  }
0x129: {  	[sflag:s0] =	ssyncadd.s32 @!p0 s1  }
0x12a: {  	[bflag:$0x3] =	sbarrier.arrive $0xFFFF  }
0x12b: {  	_ =	shalt  }

// kernel: scatter_offload_async_start
scs
__scs_entry_jumppad:
0x0: {  	(pc) =	sbr.rel $0x88, $3  }
0x1: {  	(tag) =	ssettag $0x0;
	lr =	simm.s32 $0x1  }
0x2: {  	[smem:$0x3F9E] =	sst lr;
	_ =	strace $0xD0000000  }
0x3: {  	_ = 	snop  }
0x4: {  	_ = 	snop  }
0x5: {  	_ = 	snop  }
0x6: {  	_ = 	snop  }
0x7: {  	_ = 	snop  }
__scs_overlays_trampoline_lowered:
0x8: {  	[smem:$0x3FAD] =	sst s0  }
0x9: {  	[smem:$0x3FAE] =	sst s1  }
0xa: {  	[smem:$0x3FAF] =	sst s2  }
0xb: {  	[smem:$0x3FB0] =	sst s3  }
0xc: {  	[smem:$0x3FB1] =	sst s4  }
0xd: {  	[smem:$0x3FB2] =	sst s5  }
0xe: {  	[smem:$0x3FB3] =	sst s6  }
0xf: {  	[smem:$0x3FB4] =	sst s7  }
0x10: {  	[smem:$0x3FB5] =	sst s8  }
0x11: {  	[smem:$0x3FB6] =	sst s9;
	s0 =	simm.s32 @!p0 $0x0  }
0x12: {  	s1 =	sld [smem:$0x3F9C];
	s0 =	simm.s32 @p0 $0x1  }
0x13: {  	[smem:$0x3FB7] =	sst s0;
	s0 =	simm.s32 @!p1 $0x0  }
0x14: {  	s2 =	sld [smem:$0x3F9B];
	s0 =	simm.s32 @p1 $0x1  }
0x15: {  	[smem:$0x3FB8] =	sst s0;
	s0 =	simm.s32 @!p2 $0x0  }
0x16: {  	s3 =	sld [smem:$0x3FDB];
	s0 =	simm.s32 @p2 $0x1  }
0x17: {  	s4 =	simm.s32 $0x1BF5;
	[smem:$0x3FBA] =	sst s0  }
0x18: {  	s0 =	sld [smem:$0x3F9D];
	_ =	swait.ge [sflag:s4], $0x0  }
0x19: {  	s7 =	sld [smem:$0x3F9E]  }
0x1a: {  	s8 =	sadd.s32 $0xFFFFE003, lr  }
0x1b: {  	s9 =	sadd.s32 $0xFFFFFEF7, lr;
	s5 =	simm.s32 $0xFFFFFFFF;
	p2 =	slt.u32 s8, $0xFFFFF086  }
0x1c: {  	p1 =	slt.u32 s9, $0xF7A;
	s5 =	simm.s32 @!p2 $0x0  }
0x1d: {  	s5 =	simm.s32 @p1 $0x1;
	p0 =	seq.s32 s7, s2  }
0x1e: {  	s7 =	smul.u32 @!p0 $0xF7A, s2;
	p2 =	seq.s32 @!p0 s5, $0x0  }
0x1f: {  	s9 =	smul.u32 $0xF7A, s1;
	s8 =	simm.s32 @!p0 $0x1BF5;
	p2 =	por !p2, p0  }
0x20: {  	[sflag:s8] =	ssyncset.s32 @!p0 $0xFFFFF086;
	s6 =	sadd.s32 @!p0 s3, s7;
	s7 =	simm.s32 @!p0 $0x108  }
0x21: {  	s3 =	sadd.s32 s3, s9;
	s6 =	sadd.s32 @!p0 $0x88, s6;
	s7 =	simm.s32 @p2 $0x1082  }
0x22: {  	[simem:s7], [sflag:s8] =	dma.local @!p0 [hbm:s6], $0xF7A  }
0x23: {  	s9 =	sor.u32 $0xD0000000, s2;
	s6 =	simm.s32 $0x108;
	_ =	swait.ge @!p0 [sflag:s8], $0x0  }
0x24: {  	s3 =	sadd.s32 $0x88, s3;
	s6 =	simm.s32 @!p1 $0x1082;
	[sflag:s4] =	ssyncset.s32 $0xFFFFF086  }
0x25: {  	[simem:s6], [sflag:s4] =	dma.local [hbm:s3], $0xF7A  }
0x26: {  	[smem:$0x3F9E] =	sst s1;
	(tag) =	ssettag s2;
	_ =	strace s9  }
0x27: {  	s1 =	sld [smem:$0x3FAE]  }
0x28: {  	s2 =	sld [smem:$0x3FAF]  }
0x29: {  	s4 =	sld [smem:$0x3FB1]  }
0x2a: {  	p0 =	seq.s32 s5, $0x0;
	s5 =	sld [smem:$0x3FB2]  }
0x2b: {  	s6 =	sld [smem:$0x3FB3]  }
0x2c: {  	s7 =	sld [smem:$0x3FB4]  }
0x2d: {  	s3 =	simm.s32 $0x108;
	s8 =	sld [smem:$0x3FB5]  }
0x2e: {  	s3 =	simm.s32 @!p0 $0x1082;
	s9 =	sld [smem:$0x3FB6]  }
0x2f: {  	lr =	sadd.s32 s0, s3;
	s0 =	sld [smem:$0x3FAD]  }
0x30: {  	s3 =	sld [smem:$0x3FB0]  }
0x31: {  	[smem:$0x3FB9] =	sst s10  }
0x32: {  	s10 =	sld [smem:$0x3FB7];
	_ =	sdelay $0x3  }
0x33: {  	p0 =	seq.s32 s10, $0x1;
	s10 =	sld [smem:$0x3FB9];
	_ =	sdelay $0x3  }
0x34: {  	[smem:$0x3FB9] =	sst s10  }
0x35: {  	s10 =	sld [smem:$0x3FB8];
	_ =	sdelay $0x3  }
0x36: {  	p1 =	seq.s32 s10, $0x1;
	s10 =	sld [smem:$0x3FB9];
	_ =	sdelay $0x3  }
0x37: {  	[smem:$0x3FB9] =	sst s10  }
0x38: {  	s10 =	sld [smem:$0x3FBA]  }
0x39: {  	_ = 	snop;
	(pc) =	sbr.ind lr, $3  }
0x3a: {  	_ = 	snop  }
0x3b: {  	_ = 	snop  }
0x3c: {  	p2 =	seq.s32 s10, $0x1;
	s10 =	sld [smem:$0x3FB9]  }
0x3d: {  	_ =	shalt  }
0x3e: {  	_ =	shalt  }
0x3f: {  	_ =	shalt  }
0x40: {  	_ =	shalt  }
0x41: {  	_ =	shalt  }
0x42: {  	_ =	shalt  }
0x43: {  	_ =	shalt  }
0x44: {  	_ =	shalt  }
0x45: {  	_ =	shalt  }
0x46: {  	_ =	shalt  }
0x47: {  	_ =	shalt  }
0x48: {  	_ =	shalt  }
0x49: {  	_ =	shalt  }
0x4a: {  	_ =	shalt  }
0x4b: {  	_ =	shalt  }
0x4c: {  	_ =	shalt  }
0x4d: {  	_ =	shalt  }
0x4e: {  	_ =	shalt  }
0x4f: {  	_ =	shalt  }
0x50: {  	_ =	shalt  }
0x51: {  	_ =	shalt  }
0x52: {  	_ =	shalt  }
0x53: {  	_ =	shalt  }
0x54: {  	_ =	shalt  }
0x55: {  	_ =	shalt  }
0x56: {  	_ =	shalt  }
0x57: {  	_ =	shalt  }
0x58: {  	_ =	shalt  }
0x59: {  	_ =	shalt  }
0x5a: {  	_ =	shalt  }
0x5b: {  	_ =	shalt  }
0x5c: {  	_ =	shalt  }
0x5d: {  	_ =	shalt  }
0x5e: {  	_ =	shalt  }
0x5f: {  	_ =	shalt  }
0x60: {  	_ =	shalt  }
0x61: {  	_ =	shalt  }
0x62: {  	_ =	shalt  }
0x63: {  	_ =	shalt  }
0x64: {  	_ =	shalt  }
0x65: {  	_ =	shalt  }
0x66: {  	_ =	shalt  }
0x67: {  	_ =	shalt  }
0x68: {  	_ =	shalt  }
0x69: {  	_ =	shalt  }
0x6a: {  	_ =	shalt  }
0x6b: {  	_ =	shalt  }
0x6c: {  	_ =	shalt  }
0x6d: {  	_ =	shalt  }
0x6e: {  	_ =	shalt  }
0x6f: {  	_ =	shalt  }
0x70: {  	_ =	shalt  }
0x71: {  	_ =	shalt  }
0x72: {  	_ =	shalt  }
0x73: {  	_ =	shalt  }
0x74: {  	_ =	shalt  }
0x75: {  	_ =	shalt  }
0x76: {  	_ =	shalt  }
0x77: {  	_ =	shalt  }
0x78: {  	_ =	shalt  }
0x79: {  	_ =	shalt  }
0x7a: {  	_ =	shalt  }
0x7b: {  	_ =	shalt  }
0x7c: {  	_ =	shalt  }
0x7d: {  	_ =	shalt  }
0x7e: {  	_ =	shalt  }
0x7f: {  	_ =	shalt  }
0x80: {  	_ =	shalt  }
0x81: {  	_ =	shalt  }
0x82: {  	_ =	shalt  }
0x83: {  	_ =	shalt  }
0x84: {  	_ =	shalt  }
0x85: {  	_ =	shalt  }
0x86: {  	_ =	shalt  }
0x87: {  	_ =	shalt  }
.Lfunc_end0:
.L_simem_size_0:
called_computation_lowered:
.L_overlay_start_0:
0x88: {  	s0 =	sld [smem:$0x3FD9]  }
0x89: {  	s1 =	sld [smem:$0x3FFE];
	_ =	sdelay $0x3  }
0x8a: {  	s0 =	sadd.s32 s1, s0  }
0x8b: {  	[smem:$0x3FC5] =	sst s0  }
0x8c: {  	_ = 	snop  }
0x8d: {  	s0 =	sld [smem:$0x3FD0];
	(tm) =	ssettm $0x1  }
0x8e: {  	s16 =	sld [smem:$0x3FFB];
	_ =	sdelay $0x3  }
0x8f: {  	_ =	strace s16  }
0x90: {  	s1 =	sld [smem:$0x3FFC];
	_ =	sdelay $0x3  }
0x91: {  	_ =	strace s1  }
0x92: {  	s1 =	sld [smem:$0x3FFD];
	_ =	sdelay $0x3  }
0x93: {  	_ =	strace s1  }
0x94: {  	_ =	strace $0x8FFFFFFF  }
0x95: {  	s17 =	sld [smem:$0x3FDB];
	_ =	sdelay $0x1  }
0x96: {  	s2 =	simm.s32 $_scs_section_size  }
0x97: {  	s3 =	simm.s32 $_size__tile_overlayer_lowered;
	s4 =	simm.s32 $_tile_overlayer_lowered  }
0x98: {  	s20 =	simm.s32 $0x1BFF;
	s19 =	sshll.u32 s4, $0x1;
	s1 =	sadd.s32 s2, s17  }
0x99: {  	s5 =	simm.s32 $0x0;
	s18 =	sshll.u32 s3, $0x1;
	s3 =	sadd.s32 s19, s1  }
0x9a: {  	[timem:s5], [sflag:s20] =	dma.local [hbm:s3], s18  }
0x9b: {  	_ =	swait.ge [sflag:s20], s18  }
0x9c: {  	s2 =	ssub.s32 $0x0, s18;
	[sflag:s20] =	ssyncset.done $0x0  }
0x9d: {  	[sflag:s20] =	ssyncadd.s32 s2;
	_ =	sdelay $0x1  }
0x9e: {  	s21 =	simm.s32 $0x1B8B  }
0x9f: {  	_ =	swait.ge [sflag:s21], $0x1  }
0xa0: {  	[sflag:s21] =	ssyncset.done $0x0  }
0xa1: {  	s23 =	simm.s32 $0x1B8E;
	s22 =	sld [smem:$0x3FFE];
	[sflag:s21] =	ssyncadd.s32 $0xFFFFFFFF  }
0xa2: {  	s24 =	simm.s32 $execute0_lowered;
	[smem:$0x3FD2] =	sst s23  }
0xa3: {  	s3 =	sshll.u32 s24, $0x1;
	_ =	strace $0x8000004C;
	[dreg:$0x1] =	wrdreg $0xFFFFFFFF  }
0xa4: {  	s25 =	simm.s32 $_size_execute0_lowered;
	s1 =	sadd.s32 s1, s3;
	[dreg:$0x0] =	wrdreg $0x0  }
0xa5: {  	s3 =	sshll.u32 s25, $0x1;
	[dreg:$0x2] =	wrdreg s1  }
0xa6: {  	[dreg:$0x3] =	wrdreg s3  }
0xa7: {  	[dreg:$0x4] =	wrdreg $0xC0  }
0xa8: {  	_ =	task [dreg:s5], $0x5FFFF  }
0xa9: {  	[dreg:$0x1] =	wrdreg $0xFFFFFFFF  }
0xaa: {  	[dreg:$0x0] =	wrdreg $0x60  }
0xab: {  	[dreg:$0x2] =	wrdreg s0  }
0xac: {  	[dreg:$0x3] =	wrdreg s22  }
0xad: {  	[dreg:$0x4] =	wrdreg $0x9  }
0xae: {  	_ =	task.clear_ibuf [dreg:s5], $0x5FFFF;
	_ =	strace $0x9000004C  }
0xaf: {  	s26 =	simm.s32 $0x9;
	_ =	strace $0x8000004E  }
0xb0: {  	_ =	swait.ge [sflag:s26], $0x1  }
0xb1: {  	[sflag:s26] =	ssyncadd.s32 $0xFFFFFFFF  }
0xb2: {  	_ =	strace $0x9000004E  }
0xb3: {  	_ =	sfence  }
0xb4: {  	s28 =	sld [smem:$0x0];
	_ =	sdelay $0x1  }
0xb5: {  	s29 =	srdreg.scid  }
0xb6: {  	s30 =	sshll.u32 s29, $0xD;
	s31 =	sshrl.u32 s29, $0x2  }
0xb7: {  	s2 =	sand.u32 $0x4000, s30;
	s1 =	sand.u32 $0x1, s29;
	s0 =	sadd.s32 s31, s28  }
0xb8: {  	s1 =	sor.u32 s2, s1;
	s0 =	sshll.u32 s0, $0x11  }
0xb9: {  	s0 =	sor.u32 s0, s1  }
0xba: {  	s0 =	sadd.s32 $0x8F2B, s0  }
0xbb: {  	[sflag:s0] =	ssyncadd.remote.s32 $0x1  }
0xbc: {  	_ =	sfence.sel $0xFFFF  }
0xbd: {  	[dreg:$0x0] =	wrdreg $0xFFFFFFFF;
	(pc) =	sbr.abs _section_cstart, $3  }
0xbe: {  	[dreg:$0x1] =	wrdreg $0xFFFFFFFF  }
0xbf: {  	_ =	task.clear_ibuf [dreg:s5], $0x2FFFF;
	_ =	strace $0x9FFFFFFF  }
0xc0: {  	(tm) =	ssettm $0x7FFFFFFF  }
0xc1: {  	_ =	shalt  }
tec
execute0_lowered:
.L_overlay_start_1:
0x0: {  	(tag) =	ssettag $0x1  }
0x1: {  	s1 =	rddreg [dreg:$0x0]  }
0x2: {  	s4 =	rddreg [dreg:$0x1]  }
0x3: {  	s0 =	rddreg [dreg:$0x2];
	s3 =	stileid.u32  }
0x4: {  	_ =	strace $0x8000004D;
	s6 =	simm.s32 $0x3E;
	p0 =	sne.s32 s3, $0x0  }
0x5: {  	[sflag:s6] =	ssyncpa.u1 $0x0;
	s31 =	smin.u32 s3, $0x5;
	p1 =	slt.u32 s3, $0x5  }
0x6: {  	s3 =	simm.s32 $0x10;
	s5 =	simm.s32 @!p0 $0x1C3E;
	s2 =	simm.s32 @!p0 $0x0  }
0x7: {  	[spmem:s2], [sflag:s5] =	dma.local @!p0 [hbm:s1], $0x280  }
0x8: {  	s3 =	simm.s32 @!p1 $0x0;
	s5 =	sshll.u32 s31, $0x4  }
0x9: {  	s3 =	sadd.s32 s3, s5  }
0xa: {  	s9 =	smin.u32 s3, $0x50  }
0xb: {  	s8 =	ssub.s32 s9, s5  }
0xc: {  	p1 =	sgt.s32 s8, $0x0  }
0xd: {  	s7 =	simm.s32 @!p0 $0x3E;
	s8 =	simm.s32 @!p1 $0x0  }
0xe: {  	_ =	swait.ge @!p0 [sflag:s7], $0x280;
	s10 =	sshrl.u32 s8, $0x4  }
0xf: {  	[sflag:s7] =	ssyncset.done @!p0 $0x0;
	s11 =	sadd.s32 $0x1, s10  }
0x10: {  	p3 =	por $0x0, $0x0;
	[sflag:s7] =	ssyncadd.s32 @!p0 $0xFFFFFD80;
	p1 =	sne.s32 s11, $0x1  }
.Ltmp0:
0x11: {  	s3 =	simm.s32 $0x1;
	[bflag:$0x0] =	sbarrier.arrive $0xFFFF;
	(pc) =	sbr.rel @!p1 .LBB2_1-.Ltmp0, $4  }
0x12: {  	s7 =	sadd.s32 $0x2000, s4;
	[sflag:s6] =	ssyncpa.u1 $0x1;
	s6 =	sadd.s32 $0xA00, s4  }
0x13: {  	s4 =	simm.s32 $0x2;
	s8 =	simm.s32 $0x0;
	p2 =	sle.u32 s10, $0x0  }
0x14: {  	[sflag:s3] =	ssyncpa.u1 $0x0;
	(ifvalue) =	ssetifvalue $0x1400;
	s12 =	sxor.u32 @!p2 $0xFFFFFFFF, s8  }
0x15: {  	[sflag:s4] =	ssyncpa.u1 $0x0;
	s15 =	sshrl.u32 @!p2 s5, $0x3;
	s16 =	sand.u32 @!p2 $0x10, s12  }
0x16: {  	s12 =	sadd.s32 @!p2 s7, s15  }
0x17: {  	s13 =	sor.u32 @!p2 $0x140, s16;
	s14 =	sand.u32 @!p2 $0x7, s5;
	p1 =	por $0x1, $0x1  }
0x18: {  	[tilespmem:s13], [sflag:$0x2] =	stream.linear.gather @!p2 [hbm4b:s12+s14], $0x10, $0x38;
	[tilespmem:$0x180] =	vst v63  }
0x19: {  	s15 =	sadd.s32 @!p2 s6, s15;
	s12 =	sor.u32 @!p2 $0x160, s16;
	s13 =	simm.s32 @!p1 $0x2  }
0x1a: {  	[tilespmem:s12], [sflag:$0x2] =	stream.linear.gather @!p2 [hbm4b:s15+s14], $0x10, $0x38;
	[tilespmem:$0x180] =	vst v63  }
0x1b: {  	_ =	swait.ge @!p1 [sflag:s13], $0x20  }
0x1c: {  	s8 =	sand.u32 @!p1 $0x10, s8;
	[sflag:s13] =	ssyncset.done @!p1 $0x0  }
0x1d: {  	s12 =	sor.u32 @!p1 $0x140, s8;
	[sflag:s13] =	ssyncadd.s32 @!p1 $0xFFFFFFE0  }
0x1e: {  	v0 =	vld.msk @!p1 [tilespmem:s12+$0x0 ss:$0x1], $0xffff;
	_ =	sdelay $0x3  }
0x1f: {  	p4 =	sne.s32 s11, $0x2  }
.Ltmp1:
0x20: {  	s18 =	simm.s32 @!p1 $0x0;
	s17 =	simm.s32 @!p1 $0x1;
	v0 =	vmin.u32 @!p1 v0, $0x1400;
	(pc) =	sbr.rel @!p4 .LBB2_3-.Ltmp1, $4  }
0x21: {  	s15 =	sadd.s32 $0x10, s5;
	p2 =	sle.u32 s10, $0x1;
	s14 =	smov.u32 s5  }
0x22: {  	p3 =	slt.s32 s15, s9;
	s13 =	sor.u32 @!p1 $0x160, s8;
	s8 =	simm.s32 $0x10  }
0x23: {  	s14 =	smov.u32 @p3 s15;
	p3 =	por $0x1, $0x1;
	s16 =	sxor.u32 @!p2 $0xFFFFFFFF, s8  }
0x24: {  	vm0 =	vmmov @!p1 $0xffff;
	s15 =	sshrl.u32 @!p2 s14, $0x3;
	s12 =	simm.s32 $0x2;
	s16 =	sand.u32 @!p2 $0x10, s16  }
.LBB2_4:
0x25: {  	[spmem:s18] =	stream.indirect_vreg.scatter.add.s32 @!p1 [tilespmem:s13], [sflag:$0x1], $0x1, v0, vm0, $0x4038;
	[tilespmem:$0x180] =	vst v63  }
0x26: {  	s13 =	sadd.s32 @!p2 s7, s15;
	s18 =	sor.u32 @!p2 $0x140, s16;
	_ =	swait.ge @!p1 [sflag:s17], $0x10  }
0x27: {  	s19 =	smov.u32 s12;
	s12 =	sadd.s32 $0x1, s12;
	[sflag:s17] =	ssyncset.done @!p1 $0x0  }
0x28: {  	s20 =	sand.u32 @!p2 $0x7, s14;
	[sflag:s17] =	ssyncadd.s32 @!p1 $0xFFFFFFF0;
	p1 =	seq.s32 s8, $0x0  }
0x29: {  	[tilespmem:s18], [sflag:$0x2] =	stream.linear.gather @!p2 [hbm4b:s13+s20], $0x10, $0x38;
	[tilespmem:$0x180] =	vst v63  }
0x2a: {  	s16 =	sor.u32 @!p2 $0x160, s16;
	s17 =	simm.s32 @!p1 $0x2;
	s13 =	sand.u32 @!p1 $0x10, s8  }
0x2b: {  	s15 =	sadd.s32 @!p2 s6, s15;
	s18 =	sor.u32 @!p1 $0x140, s13;
	s13 =	sor.u32 @!p1 $0x160, s13  }
0x2c: {  	[tilespmem:s16], [sflag:$0x2] =	stream.linear.gather @!p2 [hbm4b:s15+s20], $0x10, $0x38;
	[tilespmem:$0x180] =	vst v63  }
0x2d: {  	p4 =	sne.s32 s11, s12;
	_ =	swait.ge @!p1 [sflag:s17], $0x20  }
0x2e: {  	[sflag:s17] =	ssyncset.done @!p1 $0x0  }
0x2f: {  	[sflag:s17] =	ssyncadd.s32 @!p1 $0xFFFFFFE0  }
0x30: {  	v0 =	vld.msk @!p1 [tilespmem:s18+$0x0 ss:$0x1], $0xffff;
	_ =	sdelay $0x5  }
.Ltmp2:
0x31: {  	s8 =	sadd.s32 $0x10, s8;
	v0 =	vmin.u32 @!p1 v0, $0x1400;
	(pc) =	sbr.rel @p4 .LBB2_4-.Ltmp2, $4  }
0x32: {  	vm0 =	vmmov @!p1 $0xffff;
	s15 =	sadd.s32 $0x10, s14;
	p2 =	sge.u32 s19, s10;
	s18 =	simm.s32 @!p1 $0x0  }
0x33: {  	s14 =	smov.u32 s5;
	p5 =	slt.s32 s15, s9;
	s17 =	simm.s32 @!p1 $0x1  }
0x34: {  	s16 =	sxor.u32 @!p2 $0xFFFFFFFF, s8;
	s14 =	smov.u32 @p5 s15  }
0x35: {  	s16 =	sand.u32 @!p2 $0x10, s16;
	s15 =	sshrl.u32 @!p2 s14, $0x3  }
0x36: {  	s5 =	smov.u32 s14  }
.LBB2_6:
0x37: {  	_ =	sdelay $0x2  }
0x38: {  	p3 =	por p1, !p3  }
0x39: {  	[spmem:s18] =	stream.indirect_vreg.scatter.add.s32 @!p3 [tilespmem:s13], [sflag:$0x1], $0x1, v0, vm0, $0x4038;
	[tilespmem:$0x180] =	vst v63  }
0x3a: {  	_ =	swait.ge @!p3 [sflag:s17], $0x10  }
0x3b: {  	s7 =	sadd.s32 @!p2 s7, s15;
	s9 =	sor.u32 @!p2 $0x140, s16;
	[sflag:s17] =	ssyncset.done @!p3 $0x0  }
0x3c: {  	s5 =	sand.u32 @!p2 $0x7, s5;
	p1 =	seq.s32 s8, $0x0;
	[sflag:s17] =	ssyncadd.s32 @!p3 $0xFFFFFFF0  }
0x3d: {  	[tilespmem:s9], [sflag:$0x2] =	stream.linear.gather @!p2 [hbm4b:s7+s5], $0x10, $0x38;
	[tilespmem:$0x180] =	vst v63  }
0x3e: {  	s6 =	sadd.s32 @!p2 s6, s15;
	s7 =	sor.u32 @!p2 $0x160, s16;
	s9 =	simm.s32 @!p1 $0x2  }
0x3f: {  	[tilespmem:s7], [sflag:$0x2] =	stream.linear.gather @!p2 [hbm4b:s6+s5], $0x10, $0x38;
	[tilespmem:$0x180] =	vst v63  }
0x40: {  	_ =	swait.ge @!p1 [sflag:s9], $0x20  }
0x41: {  	s5 =	sand.u32 @!p1 $0x10, s8;
	[sflag:s9] =	ssyncset.done @!p1 $0x0  }
0x42: {  	s6 =	sor.u32 @!p1 $0x140, s5;
	[sflag:s9] =	ssyncadd.s32 @!p1 $0xFFFFFFE0  }
0x43: {  	v0 =	vld.msk @!p1 [tilespmem:s6+$0x0 ss:$0x1], $0xffff;
	_ =	sdelay $0x4  }
0x44: {  	v0 =	vmin.u32 @!p1 v0, $0x1400;
	_ =	sdelay $0x3  }
0x45: {  	vm0 =	vmmov @!p1 $0xffff;
	s7 =	simm.s32 @!p1 $0x1;
	s5 =	sor.u32 @!p1 $0x160, s5;
	s6 =	simm.s32 @!p1 $0x0  }
0x46: {  	[spmem:s6] =	stream.indirect_vreg.scatter.add.s32 @!p1 [tilespmem:s5], [sflag:$0x1], $0x1, v0, vm0, $0x4038;
	[tilespmem:$0x180] =	vst v63  }
0x47: {  	_ =	swait.ge @!p1 [sflag:s7], $0x10  }
0x48: {  	[sflag:s7] =	ssyncset.done @!p1 $0x0  }
0x49: {  	[sflag:s7] =	ssyncadd.s32 @!p1 $0xFFFFFFF0  }
0x4a: {  	_ =	sfence.sel $0x180000  }
0x4b: {  	[bflag:$0x0] =	sbarrier.arrive $0xFFFF  }
0x4c: {  	[sflag:s4] =	ssyncpa.u1 $0x1  }
0x4d: {  	[sflag:s3] =	ssyncpa.u1 $0x1  }
0x4e: {  	_ =	sfence.stream.spmem  }
0x4f: {  	s31 =	simm.s32 $0x3D;
	[bflag:$0x0] =	sbarrier.arrive $0xFFFF  }
0x50: {  	s3 =	simm.s32 @p0 $0x3D;
	[sflag:s31] =	ssyncpa.u1 $0x0  }
0x51: {  	[sflag:s3] =	ssyncpa.u1 @p0 $0x1  }
0x52: {  	[bflag:$0x0] =	sbarrier.arrive @p0 $0xFFFF  }
0x53: {  	_ =	strace @p0 $0x9000004D  }
0x54: {  	s3 =	simm.s32 @!p0 $0x1C3D;
	[bflag:$0x2] =	sbarrier.arrive @p0 $0xFFFF  }
0x55: {  	[hbm:s1], [sflag:s3] =	dma.local @!p0 [spmem:s2], $0x280  }
0x56: {  	s1 =	simm.s32 @!p0 $0x3D  }
0x57: {  	_ =	swait.ge @!p0 [sflag:s1], $0x280  }
0x58: {  	[sflag:s1] =	ssyncset.done @!p0 $0x0  }
0x59: {  	[sflag:s1] =	ssyncadd.s32 @!p0 $0xFFFFFD80  }
0x5a: {  	[sflag:s1] =	ssyncpa.u1 @!p0 $0x1  }
0x5b: {  	[bflag:$0x0] =	sbarrier.arrive @!p0 $0xFFFF  }
0x5c: {  	_ =	strace @!p0 $0x9000004D  }
0x5d: {  	s0 =	sadd.s32 @!p0 $0x100000, s0;
	[bflag:$0x2] =	sbarrier.arrive @!p0 $0xFFFF  }
0x5e: {  	[sflag:s0] =	ssyncadd.tile.s32 @!p0 $0x1;
	_ =	shalt  }
.LBB2_1:
.Ltmp3:
0x5f: {  	(pc) =	sbr.rel .LBB2_6-.Ltmp3, $2  }
0x60: {  	_ =	sdelay $0x2  }
0x61: {  	_ = 	snop  }
.LBB2_3:
.Ltmp4:
0x62: {  	(pc) =	sbr.rel .LBB2_6-.Ltmp4, $2  }
0x63: {  	_ =	sdelay $0x2  }
0x64: {  	s5 =	smov.u32 s14  }
.Lfunc_end2:
_tile_overlayer_lowered:
.L_overlay_start_2:
0x65: {  	(tag) =	ssettag $0x2  }
0x66: {  	s0 =	rddreg [dreg:$0x0];
	s2 =	stileid.u32  }
0x67: {  	s1 =	rddreg [dreg:$0x1];
	p0 =	sne.s32 s2, $0x0  }
0x68: {  	s3 =	rddreg [dreg:$0x2];
	[bflag:$0x3] =	sbarrier.arrive $0xFFFF;
	s2 =	simm.s32 @!p0 $0x1C01  }
0x69: {  	[timem:s3], [sflag:s2] =	dma.local @!p0 [hbm:s0], s1  }
0x6a: {  	s0 =	simm.s32 @!p0 $0x1  }
0x6b: {  	_ =	swait.ge @!p0 [sflag:s0], s1  }
0x6c: {  	s1 =	ssub.s32 @!p0 $0x0, s1;
	[sflag:s0] =	ssyncset.done @!p0 $0x0  }
0x6d: {  	[sflag:s0] =	ssyncadd.s32 @!p0 s1  }
0x6e: {  	[bflag:$0x3] =	sbarrier.arrive $0xFFFF  }
0x6f: {  	_ =	shalt  }

</sc_bundles>
